<compile_context>
chip_gen: v7x
topology: tpu7x:2x2x1
jax: 0.10.2.dev20260603
libtpu: 0.0.44.dev20260713+nightly
codegen_flags: <defaults>
</compile_context>

<pallas_src>
import functools

import jax
import jax.numpy as jnp
from jax import lax
from jax.experimental import pallas as pl
from jax.experimental.pallas import tpu as pltpu
from jax.experimental.pallas import tpu_sc as plsc

NC = 2
NS = 16
NW = NC * NS
CHUNK = 128
NB = 3


def _sc_segment_sum(x, src, dst, *, n_pad, d, epw):
    mesh = plsc.VectorSubcoreMesh(core_axis_name="c", subcore_axis_name="s")
    rows_per_sub = n_pad // NS
    n_full = epw // CHUNK
    tail = epw - n_full * CHUNK
    assert n_full % NB == 0 and n_full > 2 * NB
    assert tail % 8 == 0

    @functools.partial(
        pl.kernel,
        out_type=jax.ShapeDtypeStruct((NC, n_pad, d), jnp.float32),
        mesh=mesh,
        scratch_types=(
            [pltpu.VMEM((CHUNK, d), jnp.float32)] * NB
            + [pltpu.VMEM((CHUNK,), jnp.int32)] * NB
            + [pltpu.VMEM((CHUNK,), jnp.int32)] * NB
            + [pltpu.VMEM((max(tail, 8),), jnp.int32)]
            + [pltpu.VMEM_SHARED((n_pad, d), jnp.float32)]
            + [pltpu.SemaphoreType.DMA] * (4 * NB)
        ),
    )
    def k(x_hbm, src_hbm, dst_hbm, out_hbm, *refs):
        buf = refs[0:NB]
        srcb = refs[NB:2 * NB]
        dstb = refs[2 * NB:3 * NB]
        dstt = refs[3 * NB]
        acc = refs[3 * NB + 1]
        sg = refs[3 * NB + 2:4 * NB + 2]
        ss = refs[4 * NB + 2:5 * NB + 2]
        ssrc = refs[5 * NB + 2:6 * NB + 2]
        sd = refs[6 * NB + 2:7 * NB + 2]

        c = lax.axis_index("c")
        s = lax.axis_index("s")
        wid = c * NS + s

        ebase = wid * epw

        def src_stage(m, q):
            pltpu.async_copy(src_hbm.at[pl.ds(ebase + m * CHUNK, CHUNK)],
                             srcb[q], ssrc[q])

        def src_wait(m, q):
            pltpu.make_async_copy(src_hbm.at[pl.ds(ebase + m * CHUNK, CHUNK)],
                                  srcb[q], ssrc[q]).wait()

        def dst_stage(m, q):
            pltpu.async_copy(dst_hbm.at[pl.ds(ebase + m * CHUNK, CHUNK)],
                             dstb[q], sd[q])

        def dst_wait(m, q):
            pltpu.make_async_copy(dst_hbm.at[pl.ds(ebase + m * CHUNK, CHUNK)],
                                  dstb[q], sd[q]).wait()

        def gather(q):
            pltpu.async_copy(x_hbm.at[srcb[q]], buf[q], sg[q])

        def gather_wait(q):
            pltpu.make_async_copy(x_hbm.at[srcb[q]], buf[q], sg[q]).wait()

        def scat(q):
            pltpu.async_copy(buf[q], acc.at[dstb[q]], ss[q], add=True)

        def scat_wait(q):
            pltpu.make_async_copy(buf[q], acc.at[dstb[q]], ss[q]).wait()

        for q in range(NB):
            src_stage(q, q)
        dst_stage(0, 0)
        dst_stage(1, 1)

        zv = jnp.zeros((16,), jnp.float32)
        zb = buf[NB - 1]

        @pl.loop(0, CHUNK)
        def _(r):
            @pl.loop(0, d, step=16)
            def _(q):
                zb.at[r][pl.ds(q, 16)] = zv

        base = s * rows_per_sub
        nfull_z = rows_per_sub // CHUNK
        rem_z = rows_per_sub - nfull_z * CHUNK

        @pl.loop(0, nfull_z)
        def _(t):
            pltpu.sync_copy(zb, acc.at[pl.ds(base + t * CHUNK, CHUNK)])

        if rem_z:
            pltpu.sync_copy(
                zb.at[pl.ds(0, rem_z)],
                acc.at[pl.ds(base + nfull_z * CHUNK, rem_z)],
            )

        src_wait(0, 0)
        gather(0)
        src_wait(1, 1)
        gather(1)
        plsc.subcore_barrier()

        @pl.loop(0, n_full, step=NB)
        def _(j):
            for q in range(NB):
                m = j + q
                gather_wait(q)

                @pl.when(m + NB < n_full)
                def _():
                    src_stage(m + NB, q)

                dst_wait(m, q)
                scat(q)

                @pl.when(m >= 1)
                def _():
                    scat_wait((q + 2) % NB)

                @pl.when(m + 2 < n_full)
                def _():
                    qn = (q + 2) % NB
                    dst_stage(m + 2, qn)
                    src_wait(m + 2, qn)
                    gather(qn)

        scat_wait((n_full - 1) % NB)

        if tail:
            t0 = ebase + n_full * CHUNK
            q = n_full % NB
            pltpu.async_copy(dst_hbm.at[pl.ds(t0, tail)], dstt, sd[q])
            pltpu.async_copy(src_hbm.at[pl.ds(t0, tail)],
                             srcb[q].at[pl.ds(0, tail)], ssrc[q])
            pltpu.make_async_copy(src_hbm.at[pl.ds(t0, tail)],
                                  srcb[q].at[pl.ds(0, tail)], ssrc[q]).wait()
            pltpu.async_copy(
                x_hbm.at[srcb[q].at[pl.ds(0, tail)]],
                buf[q].at[pl.ds(0, tail)], sg[q],
            )
            pltpu.make_async_copy(
                x_hbm.at[srcb[q].at[pl.ds(0, tail)]],
                buf[q].at[pl.ds(0, tail)], sg[q],
            ).wait()
            pltpu.make_async_copy(dst_hbm.at[pl.ds(t0, tail)],
                                  dstt, sd[q]).wait()
            pltpu.sync_copy(buf[q].at[pl.ds(0, tail)], acc.at[dstt], add=True)

        plsc.subcore_barrier()
        pltpu.sync_copy(
            acc.at[pl.ds(base, rows_per_sub)],
            out_hbm.at[c, pl.ds(base, rows_per_sub)],
        )

    return k(x, src, dst)


def _combine(x, p, *, n_nodes, d, blk):
    def body(x_ref, p_ref, o_ref):
        o_ref[...] = x_ref[...] + p_ref[0] + p_ref[1]

    return pl.pallas_call(
        body,
        grid=(n_nodes // blk,),
        in_specs=[
            pl.BlockSpec((blk, d), lambda i: (i, 0)),
            pl.BlockSpec((NC, blk, d), lambda i: (0, i, 0)),
        ],
        out_specs=pl.BlockSpec((blk, d), lambda i: (i, 0)),
        out_shape=jax.ShapeDtypeStruct((n_nodes, d), jnp.float32),
    )(x, p)


def kernel(x, edge_index):
    n_nodes, d = x.shape
    n_edges = edge_index.shape[1]
    epw = n_edges // NW

    n_pad = ((n_nodes + 8 * NS - 1) // (8 * NS)) * (8 * NS)

    src = edge_index[0].astype(jnp.int32)
    dst = edge_index[1].astype(jnp.int32)

    p = _sc_segment_sum(x, src, dst, n_pad=n_pad, d=d, epw=epw)
    return _combine(x, p, n_nodes=n_nodes, d=d, blk=2000)

# --- scband reference (transcript-rebuilt; emitter-appended) ---
"""Pipeline reference for scband-message-passing-base-5669356834161 (READ-ONLY COPY).

The authoritative reference and input builder live on the scoring server;
editing this copy changes nothing except your own understanding.
"""

import jax, jax.numpy as jnp
import numpy as np

N_NODES = 10000
N_EDGES = 320000
D_FEAT = 128

def setup_inputs(seed: int = 0) -> dict:
    key = jax.random.key(seed)
    k_x, k_e = jax.random.split(key)
    x = jax.random.normal(k_x, (N_NODES, D_FEAT), dtype=jnp.float32)
    edge_index = jax.random.randint(k_e, (2, N_EDGES), 0, N_NODES, dtype=jnp.int64)
    return {"x": x, "edge_index": edge_index}

def reference(x, edge_index):
    # MessagePassingBase.forward: update = message_and_aggregate(graph, input); out = combine(input, update)
    src = edge_index[0]
    dst = edge_index[1]
    # message(graph, input): gather source-node representations per edge -> (|E|, d)
    message = jnp.take(x, src, axis=0)
    # aggregate(graph, message): scatter-add edge messages to destination nodes -> (|V|, d)
    update = jax.ops.segment_sum(message, dst, num_segments=N_NODES)
    # combine(input, update): residual combination of node input and node update
    output = x + update
    return output

if __name__ == "__main__":
    import jax
    _d = setup_inputs()
    print(jax.jit(kernel)(*tuple(_d.values())))

</pallas_src>

<mosaic_0001>
#map = affine_map<(d0, d1) -> (0, 0)>
#map1 = affine_map<(d0, d1) -> (0)>
#map2 = affine_map<(d0, d1) -> (0, 0, 0)>
module attributes {stable_mosaic.version = 14 : i64} {
  func.func @k(%arg0: i32, %arg1: i32, %arg2: memref<10000x128xf32, #tpu.memory_space<hbm>>, %arg3: memref<320000xi32, #tpu.memory_space<hbm>>, %arg4: memref<320000xi32, #tpu.memory_space<hbm>>, %arg5: memref<2x10112x128xf32, #tpu.memory_space<hbm>>, %arg6: memref<128x128xf32, #tpu.memory_space<vmem>>, %arg7: memref<128x128xf32, #tpu.memory_space<vmem>>, %arg8: memref<128x128xf32, #tpu.memory_space<vmem>>, %arg9: memref<128xi32, #tpu.memory_space<vmem>>, %arg10: memref<128xi32, #tpu.memory_space<vmem>>, %arg11: memref<128xi32, #tpu.memory_space<vmem>>, %arg12: memref<128xi32, #tpu.memory_space<vmem>>, %arg13: memref<128xi32, #tpu.memory_space<vmem>>, %arg14: memref<128xi32, #tpu.memory_space<vmem>>, %arg15: memref<16xi32, #tpu.memory_space<vmem>>, %arg16: memref<10112x128xf32, #tpu.memory_space<vmem_shared>>, %arg17: memref<!tpu.dma_semaphore, #tpu.memory_space<semaphore_mem>>, %arg18: memref<!tpu.dma_semaphore, #tpu.memory_space<semaphore_mem>>, %arg19: memref<!tpu.dma_semaphore, #tpu.memory_space<semaphore_mem>>, %arg20: memref<!tpu.dma_semaphore, #tpu.memory_space<semaphore_mem>>, %arg21: memref<!tpu.dma_semaphore, #tpu.memory_space<semaphore_mem>>, %arg22: memref<!tpu.dma_semaphore, #tpu.memory_space<semaphore_mem>>, %arg23: memref<!tpu.dma_semaphore, #tpu.memory_space<semaphore_mem>>, %arg24: memref<!tpu.dma_semaphore, #tpu.memory_space<semaphore_mem>>, %arg25: memref<!tpu.dma_semaphore, #tpu.memory_space<semaphore_mem>>, %arg26: memref<!tpu.dma_semaphore, #tpu.memory_space<semaphore_mem>>, %arg27: memref<!tpu.dma_semaphore, #tpu.memory_space<semaphore_mem>>, %arg28: memref<!tpu.dma_semaphore, #tpu.memory_space<semaphore_mem>>) attributes {dimension_semantics = [#tpu.dimension_semantics<core_parallel>, #tpu.dimension_semantics<subcore_parallel>], iteration_bounds = array<i64: 2, 16>, scalar_prefetch = 0 : i64, scratch_operands = 23 : i64, tpu.core_type = #tpu.core_type<sc_vector_subcore>, window_params = [{transform_indices = #map}, {transform_indices = #map1}, {transform_indices = #map1}, {transform_indices = #map2}]} {
    %mul3A = arith.constant 16 : i32
    %mul3A_0 = arith.muli %arg0, %mul3A : i32
    %add3A = arith.addi %mul3A_0, %arg1 : i32
    %mul3A_1 = arith.constant 10000 : i32
    %mul3A_2 = arith.muli %add3A, %mul3A_1 : i32
    %add3A_3 = arith.constant 0 : i32
    %add3A_4 = arith.addi %mul3A_2, %add3A_3 : i32
    %dma_start3A = tpu.memref_slice %arg3[%add3A_4] : memref<320000xi32, #tpu.memory_space<hbm>> -> memref<128xi32, #tpu.memory_space<hbm>>
    %dma_start3A_5 = tpu.memref_slice %arg3[%add3A_4] : memref<320000xi32, #tpu.memory_space<hbm>> -> memref<128xi32, #tpu.memory_space<hbm>>
    tpu.enqueue_dma source(%dma_start3A_5 : memref<128xi32, #tpu.memory_space<hbm>>) target(%arg9 : memref<128xi32, #tpu.memory_space<vmem>>) target_semaphore(%arg23 : memref<!tpu.dma_semaphore, #tpu.memory_space<semaphore_mem>>)
    %add3A_6 = arith.constant 128 : i32
    %add3A_7 = arith.addi %mul3A_2, %add3A_6 : i32
    %dma_start3A_8 = tpu.memref_slice %arg3[%add3A_7] : memref<320000xi32, #tpu.memory_space<hbm>> -> memref<128xi32, #tpu.memory_space<hbm>>
    %dma_start3A_9 = tpu.memref_slice %arg3[%add3A_7] : memref<320000xi32, #tpu.memory_space<hbm>> -> memref<128xi32, #tpu.memory_space<hbm>>
    tpu.enqueue_dma source(%dma_start3A_9 : memref<128xi32, #tpu.memory_space<hbm>>) target(%arg10 : memref<128xi32, #tpu.memory_space<vmem>>) target_semaphore(%arg24 : memref<!tpu.dma_semaphore, #tpu.memory_space<semaphore_mem>>)
    %add3A_10 = arith.constant 256 : i32
    %add3A_11 = arith.addi %mul3A_2, %add3A_10 : i32
    %dma_start3A_12 = tpu.memref_slice %arg3[%add3A_11] : memref<320000xi32, #tpu.memory_space<hbm>> -> memref<128xi32, #tpu.memory_space<hbm>>
    %dma_start3A_13 = tpu.memref_slice %arg3[%add3A_11] : memref<320000xi32, #tpu.memory_space<hbm>> -> memref<128xi32, #tpu.memory_space<hbm>>
    tpu.enqueue_dma source(%dma_start3A_13 : memref<128xi32, #tpu.memory_space<hbm>>) target(%arg11 : memref<128xi32, #tpu.memory_space<vmem>>) target_semaphore(%arg25 : memref<!tpu.dma_semaphore, #tpu.memory_space<semaphore_mem>>)
    %add3A_14 = arith.constant 0 : i32
    %add3A_15 = arith.addi %mul3A_2, %add3A_14 : i32
    %dma_start3A_16 = tpu.memref_slice %arg4[%add3A_15] : memref<320000xi32, #tpu.memory_space<hbm>> -> memref<128xi32, #tpu.memory_space<hbm>>
    %dma_start3A_17 = tpu.memref_slice %arg4[%add3A_15] : memref<320000xi32, #tpu.memory_space<hbm>> -> memref<128xi32, #tpu.memory_space<hbm>>
    tpu.enqueue_dma source(%dma_start3A_17 : memref<128xi32, #tpu.memory_space<hbm>>) target(%arg12 : memref<128xi32, #tpu.memory_space<vmem>>) target_semaphore(%arg26 : memref<!tpu.dma_semaphore, #tpu.memory_space<semaphore_mem>>)
    %add3A_18 = arith.constant 128 : i32
    %add3A_19 = arith.addi %mul3A_2, %add3A_18 : i32
    %dma_start3A_20 = tpu.memref_slice %arg4[%add3A_19] : memref<320000xi32, #tpu.memory_space<hbm>> -> memref<128xi32, #tpu.memory_space<hbm>>
    %dma_start3A_21 = tpu.memref_slice %arg4[%add3A_19] : memref<320000xi32, #tpu.memory_space<hbm>> -> memref<128xi32, #tpu.memory_space<hbm>>
    tpu.enqueue_dma source(%dma_start3A_21 : memref<128xi32, #tpu.memory_space<hbm>>) target(%arg13 : memref<128xi32, #tpu.memory_space<vmem>>) target_semaphore(%arg27 : memref<!tpu.dma_semaphore, #tpu.memory_space<semaphore_mem>>)
    %broadcast_in_dim3A = arith.constant 0.000000e+00 : f32
    %broadcast_in_dim3A_22 = vector.broadcast %broadcast_in_dim3A : f32 to vector<16xf32>
    %scan3A = arith.constant 0 : i32
    %scan3A_23 = arith.constant 128 : i32
    %scan3A_24 = arith.addi %scan3A, %scan3A_23 : i32
    %scan3A_25 = arith.constant 1 : i32
    scf.for %scan3A_92 = %scan3A to %scan3A_24 step %scan3A_25  : i32 {
      %mul3A_93 = arith.constant 1 : i32
      %mul3A_94 = arith.muli %scan3A_92, %mul3A_93 : i32
      %add3A_95 = arith.constant 0 : i32
      %add3A_96 = arith.addi %add3A_95, %mul3A_94 : i32
      %scan3A_97 = arith.constant 0 : i32
      %scan3A_98 = arith.constant 8 : i32
      %scan3A_99 = arith.addi %scan3A_97, %scan3A_98 : i32
      %scan3A_100 = arith.constant 1 : i32
      scf.for %scan3A_102 = %scan3A_97 to %scan3A_99 step %scan3A_100  : i32 {
        %mul3A_103 = arith.constant 16 : i32
        %mul3A_104 = arith.muli %scan3A_102, %mul3A_103 : i32
        %add3A_105 = arith.constant 0 : i32
        %add3A_106 = arith.addi %add3A_105, %mul3A_104 : i32
        %swap3A = arith.constant 0 : i32
        %swap3A_107 = tpu.memref_slice %arg8[%add3A_96, %swap3A] : memref<128x128xf32, #tpu.memory_space<vmem>> -> memref<1x128xf32, #tpu.memory_space<vmem>>
        %swap3A_108 = tpu.memref_squeeze %swap3A_107 : memref<1x128xf32, #tpu.memory_space<vmem>> -> memref<128xf32, #tpu.memory_space<vmem>>
        %swap3A_109 = arith.index_cast %add3A_106 : i32 to index
        %swap3A_110 = tpu.vector_load %swap3A_108[%swap3A_109] {strides = array<i32>} : memref<128xf32, #tpu.memory_space<vmem>>, vector<16xf32>,
        %swap3A_111 = vector.shape_cast %swap3A_110 : vector<16xf32> to vector<16xf32>
        %swap3A_112 = vector.shape_cast %broadcast_in_dim3A_22 : vector<16xf32> to vector<16xf32>
        tpu.vector_store %swap3A_108[%swap3A_109], %swap3A_112 {strides = array<i32>} : memref<128xf32, #tpu.memory_space<vmem>>, vector<16xf32>,
      }
      %scan3A_101 = arith.constant 8 : i32
    }
    %scan3A_26 = arith.constant 128 : i32
    %mul3A_27 = arith.constant 632 : i32
    %mul3A_28 = arith.muli %arg1, %mul3A_27 : i32
    %scan3A_29 = arith.constant 0 : i32
    %scan3A_30 = arith.constant 4 : i32
    %scan3A_31 = arith.addi %scan3A_29, %scan3A_30 : i32
    %scan3A_32 = arith.constant 1 : i32
    scf.for %scan3A_92 = %scan3A_29 to %scan3A_31 step %scan3A_32  : i32 {
      %mul3A_93 = arith.constant 1 : i32
      %mul3A_94 = arith.muli %scan3A_92, %mul3A_93 : i32
      %add3A_95 = arith.constant 0 : i32
      %add3A_96 = arith.addi %add3A_95, %mul3A_94 : i32
      %mul3A_97 = arith.constant 128 : i32
      %mul3A_98 = arith.muli %add3A_96, %mul3A_97 : i32
      %add3A_99 = arith.addi %mul3A_28, %mul3A_98 : i32
      "tpu.region"() ({
        %run_scoped3A = tpu.sem_alloc : memref<!tpu.dma_semaphore, #tpu.memory_space<semaphore_mem>>
        %dma_start3A_100 = arith.constant 0 : i32
        %dma_start3A_101 = tpu.memref_slice %arg16[%add3A_99, %dma_start3A_100] : memref<10112x128xf32, #tpu.memory_space<vmem_shared>> -> memref<128x128xf32, #tpu.memory_space<vmem_shared>>
        %dma_start3A_102 = arith.constant 0 : i32
        %dma_start3A_103 = tpu.memref_slice %arg16[%add3A_99, %dma_start3A_102] : memref<10112x128xf32, #tpu.memory_space<vmem_shared>> -> memref<128x128xf32, #tpu.memory_space<vmem_shared>>
        tpu.enqueue_dma source(%arg8 : memref<128x128xf32, #tpu.memory_space<vmem>>) target(%dma_start3A_103 : memref<128x128xf32, #tpu.memory_space<vmem_shared>>) target_semaphore(%run_scoped3A : memref<!tpu.dma_semaphore, #tpu.memory_space<semaphore_mem>>)
        %dma_wait3A_104 = arith.constant 0 : i32
        %dma_wait3A_105 = tpu.memref_slice %arg16[%add3A_99, %dma_wait3A_104] : memref<10112x128xf32, #tpu.memory_space<vmem_shared>> -> memref<128x128xf32, #tpu.memory_space<vmem_shared>>
        %dma_wait3A_106 = arith.constant 0 : i32
        %dma_wait3A_107 = tpu.memref_slice %arg16[%add3A_99, %dma_wait3A_106] : memref<10112x128xf32, #tpu.memory_space<vmem_shared>> -> memref<128x128xf32, #tpu.memory_space<vmem_shared>>
        tpu.wait_dma2 semaphore(%run_scoped3A : memref<!tpu.dma_semaphore, #tpu.memory_space<semaphore_mem>>) src(%arg8 : memref<128x128xf32, #tpu.memory_space<vmem>>) dst(%dma_wait3A_107 : memref<128x128xf32, #tpu.memory_space<vmem_shared>>)
        tpu.yield
      }) : () -> ()
    }
    %scan3A_33 = arith.constant 4 : i32
    %add3A_34 = arith.constant 512 : i32
    %add3A_35 = arith.addi %mul3A_28, %add3A_34 : i32
    "tpu.region"() ({
      %run_scoped3A = tpu.sem_alloc : memref<!tpu.dma_semaphore, #tpu.memory_space<semaphore_mem>>
      %dma_start3A_92 = arith.constant 0 : i32
      %dma_start3A_93 = arith.constant 0 : i32
      %dma_start3A_94 = tpu.memref_slice %arg8[%dma_start3A_92, %dma_start3A_93] : memref<128x128xf32, #tpu.memory_space<vmem>> -> memref<120x128xf32, #tpu.memory_space<vmem>>
      %dma_start3A_95 = arith.constant 0 : i32
      %dma_start3A_96 = tpu.memref_slice %arg16[%add3A_35, %dma_start3A_95] : memref<10112x128xf32, #tpu.memory_space<vmem_shared>> -> memref<120x128xf32, #tpu.memory_space<vmem_shared>>
      %dma_start3A_97 = arith.constant 0 : i32
      %dma_start3A_98 = tpu.memref_slice %arg16[%add3A_35, %dma_start3A_97] : memref<10112x128xf32, #tpu.memory_space<vmem_shared>> -> memref<120x128xf32, #tpu.memory_space<vmem_shared>>
      %dma_start3A_99 = arith.constant 0 : i32
      %dma_start3A_100 = arith.constant 0 : i32
      %dma_start3A_101 = tpu.memref_slice %arg8[%dma_start3A_99, %dma_start3A_100] : memref<128x128xf32, #tpu.memory_space<vmem>> -> memref<120x128xf32, #tpu.memory_space<vmem>>
      tpu.enqueue_dma source(%dma_start3A_101 : memref<120x128xf32, #tpu.memory_space<vmem>>) target(%dma_start3A_98 : memref<120x128xf32, #tpu.memory_space<vmem_shared>>) target_semaphore(%run_scoped3A : memref<!tpu.dma_semaphore, #tpu.memory_space<semaphore_mem>>)
      %dma_wait3A_102 = arith.constant 0 : i32
      %dma_wait3A_103 = arith.constant 0 : i32
      %dma_wait3A_104 = tpu.memref_slice %arg8[%dma_wait3A_102, %dma_wait3A_103] : memref<128x128xf32, #tpu.memory_space<vmem>> -> memref<120x128xf32, #tpu.memory_space<vmem>>
      %dma_wait3A_105 = arith.constant 0 : i32
      %dma_wait3A_106 = tpu.memref_slice %arg16[%add3A_35, %dma_wait3A_105] : memref<10112x128xf32, #tpu.memory_space<vmem_shared>> -> memref<120x128xf32, #tpu.memory_space<vmem_shared>>
      %dma_wait3A_107 = arith.constant 0 : i32
      %dma_wait3A_108 = tpu.memref_slice %arg16[%add3A_35, %dma_wait3A_107] : memref<10112x128xf32, #tpu.memory_space<vmem_shared>> -> memref<120x128xf32, #tpu.memory_space<vmem_shared>>
      %dma_wait3A_109 = arith.constant 0 : i32
      %dma_wait3A_110 = arith.constant 0 : i32
      %dma_wait3A_111 = tpu.memref_slice %arg8[%dma_wait3A_109, %dma_wait3A_110] : memref<128x128xf32, #tpu.memory_space<vmem>> -> memref<120x128xf32, #tpu.memory_space<vmem>>
      tpu.wait_dma2 semaphore(%run_scoped3A : memref<!tpu.dma_semaphore, #tpu.memory_space<semaphore_mem>>) src(%dma_wait3A_111 : memref<120x128xf32, #tpu.memory_space<vmem>>) dst(%dma_wait3A_108 : memref<120x128xf32, #tpu.memory_space<vmem_shared>>)
      tpu.yield
    }) : () -> ()
    %add3A_36 = arith.constant 0 : i32
    %add3A_37 = arith.addi %mul3A_2, %add3A_36 : i32
    %dma_wait3A = tpu.memref_slice %arg3[%add3A_37] : memref<320000xi32, #tpu.memory_space<hbm>> -> memref<128xi32, #tpu.memory_space<hbm>>
    %dma_wait3A_38 = tpu.memref_slice %arg3[%add3A_37] : memref<320000xi32, #tpu.memory_space<hbm>> -> memref<128xi32, #tpu.memory_space<hbm>>
    tpu.wait_dma2 semaphore(%arg23 : memref<!tpu.dma_semaphore, #tpu.memory_space<semaphore_mem>>) src(%dma_wait3A_38 : memref<128xi32, #tpu.memory_space<hbm>>) dst(%arg9 : memref<128xi32, #tpu.memory_space<vmem>>)
    %dma_start3A_39 = arith.constant 0 : i32
    %dma_start3A_40 = arith.constant 0 : i32
    %dma_start3A_41 = tpu.memref_slice %arg2[%dma_start3A_39, %dma_start3A_40] : memref<10000x128xf32, #tpu.memory_space<hbm>> -> memref<10000x128xf32, #tpu.memory_space<hbm>>
    tpu.enqueue_indirect_dma source(%dma_start3A_41 : memref<10000x128xf32, #tpu.memory_space<hbm>>) target(%arg6 : memref<128x128xf32, #tpu.memory_space<vmem>>) offsets(%arg9 : memref<128xi32, #tpu.memory_space<vmem>>) semaphore(%arg17 : memref<!tpu.dma_semaphore, #tpu.memory_space<semaphore_mem>>)
    %add3A_42 = arith.constant 128 : i32
    %add3A_43 = arith.addi %mul3A_2, %add3A_42 : i32
    %dma_wait3A_44 = tpu.memref_slice %arg3[%add3A_43] : memref<320000xi32, #tpu.memory_space<hbm>> -> memref<128xi32, #tpu.memory_space<hbm>>
    %dma_wait3A_45 = tpu.memref_slice %arg3[%add3A_43] : memref<320000xi32, #tpu.memory_space<hbm>> -> memref<128xi32, #tpu.memory_space<hbm>>
    tpu.wait_dma2 semaphore(%arg24 : memref<!tpu.dma_semaphore, #tpu.memory_space<semaphore_mem>>) src(%dma_wait3A_45 : memref<128xi32, #tpu.memory_space<hbm>>) dst(%arg10 : memref<128xi32, #tpu.memory_space<vmem>>)
    %dma_start3A_46 = arith.constant 0 : i32
    %dma_start3A_47 = arith.constant 0 : i32
    %dma_start3A_48 = tpu.memref_slice %arg2[%dma_start3A_46, %dma_start3A_47] : memref<10000x128xf32, #tpu.memory_space<hbm>> -> memref<10000x128xf32, #tpu.memory_space<hbm>>
    tpu.enqueue_indirect_dma source(%dma_start3A_48 : memref<10000x128xf32, #tpu.memory_space<hbm>>) target(%arg7 : memref<128x128xf32, #tpu.memory_space<vmem>>) offsets(%arg10 : memref<128xi32, #tpu.memory_space<vmem>>) semaphore(%arg18 : memref<!tpu.dma_semaphore, #tpu.memory_space<semaphore_mem>>)
    %barrier3A = arith.constant 0 : index
    tpu.barrier barrier_id(%barrier3A)
    %scan3A_49 = arith.constant 0 : i32
    %scan3A_50 = arith.constant 26 : i32
    %scan3A_51 = arith.addi %scan3A_49, %scan3A_50 : i32
    %scan3A_52 = arith.constant 1 : i32
    scf.for %scan3A_92 = %scan3A_49 to %scan3A_51 step %scan3A_52  : i32 {
      %mul3A_93 = arith.constant 3 : i32
      %mul3A_94 = arith.muli %scan3A_92, %mul3A_93 : i32
      %add3A_95 = arith.constant 0 : i32
      %add3A_96 = arith.addi %add3A_95, %mul3A_94 : i32
      %add3A_97 = arith.constant 0 : i32
      %add3A_98 = arith.addi %add3A_96, %add3A_97 : i32
      %dma_wait3A_99 = arith.constant 0 : i32
      %dma_wait3A_100 = arith.constant 0 : i32
      %dma_wait3A_101 = tpu.memref_slice %arg2[%dma_wait3A_99, %dma_wait3A_100] : memref<10000x128xf32, #tpu.memory_space<hbm>> -> memref<10000x128xf32, #tpu.memory_space<hbm>>
      tpu.wait_indirect_dma semaphore(%arg17 : memref<!tpu.dma_semaphore, #tpu.memory_space<semaphore_mem>>) src(%dma_wait3A_101 : memref<10000x128xf32, #tpu.memory_space<hbm>>) dst(%arg6 : memref<128x128xf32, #tpu.memory_space<vmem>>)
      %add3A_102 = arith.constant 3 : i32
      %add3A_103 = arith.addi %add3A_98, %add3A_102 : i32
      %lt3A = arith.constant 78 : i32
      %lt3A_104 = arith.cmpi slt, %add3A_103, %lt3A : i32
      %convert_element_type3A = arith.extui %lt3A_104 : i1 to i32
      %cond3A = arith.constant 0 : i32
      %cond3A_105 = arith.cmpi ne, %convert_element_type3A, %cond3A : i32
      scf.if %cond3A_105 {
        %add3A_189 = arith.constant 3 : i32
        %add3A_190 = arith.addi %add3A_98, %add3A_189 : i32
        %mul3A_191 = arith.constant 128 : i32
        %mul3A_192 = arith.muli %add3A_190, %mul3A_191 : i32
        %add3A_193 = arith.addi %mul3A_2, %mul3A_192 : i32
        %dma_start3A_194 = tpu.memref_slice %arg3[%add3A_193] : memref<320000xi32, #tpu.memory_space<hbm>> -> memref<128xi32, #tpu.memory_space<hbm>>
        %dma_start3A_195 = tpu.memref_slice %arg3[%add3A_193] : memref<320000xi32, #tpu.memory_space<hbm>> -> memref<128xi32, #tpu.memory_space<hbm>>
        tpu.enqueue_dma source(%dma_start3A_195 : memref<128xi32, #tpu.memory_space<hbm>>) target(%arg9 : memref<128xi32, #tpu.memory_space<vmem>>) target_semaphore(%arg23 : memref<!tpu.dma_semaphore, #tpu.memory_space<semaphore_mem>>)
      } else {
      }
      %mul3A_106 = arith.constant 128 : i32
      %mul3A_107 = arith.muli %add3A_98, %mul3A_106 : i32
      %add3A_108 = arith.addi %mul3A_2, %mul3A_107 : i32
      %dma_wait3A_109 = tpu.memref_slice %arg4[%add3A_108] : memref<320000xi32, #tpu.memory_space<hbm>> -> memref<128xi32, #tpu.memory_space<hbm>>
      %dma_wait3A_110 = tpu.memref_slice %arg4[%add3A_108] : memref<320000xi32, #tpu.memory_space<hbm>> -> memref<128xi32, #tpu.memory_space<hbm>>
      tpu.wait_dma2 semaphore(%arg26 : memref<!tpu.dma_semaphore, #tpu.memory_space<semaphore_mem>>) src(%dma_wait3A_110 : memref<128xi32, #tpu.memory_space<hbm>>) dst(%arg12 : memref<128xi32, #tpu.memory_space<vmem>>)
      %dma_start3A_111 = arith.constant 0 : i32
      %dma_start3A_112 = arith.constant 0 : i32
      %dma_start3A_113 = tpu.memref_slice %arg16[%dma_start3A_111, %dma_start3A_112] : memref<10112x128xf32, #tpu.memory_space<vmem_shared>> -> memref<10112x128xf32, #tpu.memory_space<vmem_shared>>
      tpu.enqueue_indirect_dma source(%arg6 : memref<128x128xf32, #tpu.memory_space<vmem>>) target(%dma_start3A_113 : memref<10112x128xf32, #tpu.memory_space<vmem_shared>>) offsets(%arg12 : memref<128xi32, #tpu.memory_space<vmem>>) semaphore(%arg20 : memref<!tpu.dma_semaphore, #tpu.memory_space<semaphore_mem>>) {add = true}
      %ge3A = arith.constant 1 : i32
      %ge3A_114 = arith.cmpi sge, %add3A_98, %ge3A : i32
      %convert_element_type3A_115 = arith.extui %ge3A_114 : i1 to i32
      %cond3A_116 = arith.constant 0 : i32
      %cond3A_117 = arith.cmpi ne, %convert_element_type3A_115, %cond3A_116 : i32
      scf.if %cond3A_117 {
        %dma_wait3A_189 = arith.constant 0 : i32
        %dma_wait3A_190 = arith.constant 0 : i32
        %dma_wait3A_191 = tpu.memref_slice %arg16[%dma_wait3A_189, %dma_wait3A_190] : memref<10112x128xf32, #tpu.memory_space<vmem_shared>> -> memref<10112x128xf32, #tpu.memory_space<vmem_shared>>
        tpu.wait_indirect_dma semaphore(%arg22 : memref<!tpu.dma_semaphore, #tpu.memory_space<semaphore_mem>>) src(%arg8 : memref<128x128xf32, #tpu.memory_space<vmem>>) dst(%dma_wait3A_191 : memref<10112x128xf32, #tpu.memory_space<vmem_shared>>)
      } else {
      }
      %add3A_118 = arith.constant 2 : i32
      %add3A_119 = arith.addi %add3A_98, %add3A_118 : i32
      %lt3A_120 = arith.constant 78 : i32
      %lt3A_121 = arith.cmpi slt, %add3A_119, %lt3A_120 : i32
      %convert_element_type3A_122 = arith.extui %lt3A_121 : i1 to i32
      %cond3A_123 = arith.constant 0 : i32
      %cond3A_124 = arith.cmpi ne, %convert_element_type3A_122, %cond3A_123 : i32
      scf.if %cond3A_124 {
        %add3A_189 = arith.constant 2 : i32
        %add3A_190 = arith.addi %add3A_98, %add3A_189 : i32
        %mul3A_191 = arith.constant 128 : i32
        %mul3A_192 = arith.muli %add3A_190, %mul3A_191 : i32
        %add3A_193 = arith.addi %mul3A_2, %mul3A_192 : i32
        %dma_start3A_194 = tpu.memref_slice %arg4[%add3A_193] : memref<320000xi32, #tpu.memory_space<hbm>> -> memref<128xi32, #tpu.memory_space<hbm>>
        %dma_start3A_195 = tpu.memref_slice %arg4[%add3A_193] : memref<320000xi32, #tpu.memory_space<hbm>> -> memref<128xi32, #tpu.memory_space<hbm>>
        tpu.enqueue_dma source(%dma_start3A_195 : memref<128xi32, #tpu.memory_space<hbm>>) target(%arg14 : memref<128xi32, #tpu.memory_space<vmem>>) target_semaphore(%arg28 : memref<!tpu.dma_semaphore, #tpu.memory_space<semaphore_mem>>)
        %add3A_196 = arith.constant 2 : i32
        %add3A_197 = arith.addi %add3A_98, %add3A_196 : i32
        %mul3A_198 = arith.constant 128 : i32
        %mul3A_199 = arith.muli %add3A_197, %mul3A_198 : i32
        %add3A_200 = arith.addi %mul3A_2, %mul3A_199 : i32
        %dma_wait3A_201 = tpu.memref_slice %arg3[%add3A_200] : memref<320000xi32, #tpu.memory_space<hbm>> -> memref<128xi32, #tpu.memory_space<hbm>>
        %dma_wait3A_202 = tpu.memref_slice %arg3[%add3A_200] : memref<320000xi32, #tpu.memory_space<hbm>> -> memref<128xi32, #tpu.memory_space<hbm>>
        tpu.wait_dma2 semaphore(%arg25 : memref<!tpu.dma_semaphore, #tpu.memory_space<semaphore_mem>>) src(%dma_wait3A_202 : memref<128xi32, #tpu.memory_space<hbm>>) dst(%arg11 : memref<128xi32, #tpu.memory_space<vmem>>)
        %dma_start3A_203 = arith.constant 0 : i32
        %dma_start3A_204 = arith.constant 0 : i32
        %dma_start3A_205 = tpu.memref_slice %arg2[%dma_start3A_203, %dma_start3A_204] : memref<10000x128xf32, #tpu.memory_space<hbm>> -> memref<10000x128xf32, #tpu.memory_space<hbm>>
        tpu.enqueue_indirect_dma source(%dma_start3A_205 : memref<10000x128xf32, #tpu.memory_space<hbm>>) target(%arg8 : memref<128x128xf32, #tpu.memory_space<vmem>>) offsets(%arg11 : memref<128xi32, #tpu.memory_space<vmem>>) semaphore(%arg19 : memref<!tpu.dma_semaphore, #tpu.memory_space<semaphore_mem>>)
      } else {
      }
      %add3A_125 = arith.constant 1 : i32
      %add3A_126 = arith.addi %add3A_96, %add3A_125 : i32
      %dma_wait3A_127 = arith.constant 0 : i32
      %dma_wait3A_128 = arith.constant 0 : i32
      %dma_wait3A_129 = tpu.memref_slice %arg2[%dma_wait3A_127, %dma_wait3A_128] : memref<10000x128xf32, #tpu.memory_space<hbm>> -> memref<10000x128xf32, #tpu.memory_space<hbm>>
      tpu.wait_indirect_dma semaphore(%arg18 : memref<!tpu.dma_semaphore, #tpu.memory_space<semaphore_mem>>) src(%dma_wait3A_129 : memref<10000x128xf32, #tpu.memory_space<hbm>>) dst(%arg7 : memref<128x128xf32, #tpu.memory_space<vmem>>)
      %add3A_130 = arith.constant 3 : i32
      %add3A_131 = arith.addi %add3A_126, %add3A_130 : i32
      %lt3A_132 = arith.constant 78 : i32
      %lt3A_133 = arith.cmpi slt, %add3A_131, %lt3A_132 : i32
      %convert_element_type3A_134 = arith.extui %lt3A_133 : i1 to i32
      %cond3A_135 = arith.constant 0 : i32
      %cond3A_136 = arith.cmpi ne, %convert_element_type3A_134, %cond3A_135 : i32
      scf.if %cond3A_136 {
        %add3A_189 = arith.constant 3 : i32
        %add3A_190 = arith.addi %add3A_126, %add3A_189 : i32
        %mul3A_191 = arith.constant 128 : i32
        %mul3A_192 = arith.muli %add3A_190, %mul3A_191 : i32
        %add3A_193 = arith.addi %mul3A_2, %mul3A_192 : i32
        %dma_start3A_194 = tpu.memref_slice %arg3[%add3A_193] : memref<320000xi32, #tpu.memory_space<hbm>> -> memref<128xi32, #tpu.memory_space<hbm>>
        %dma_start3A_195 = tpu.memref_slice %arg3[%add3A_193] : memref<320000xi32, #tpu.memory_space<hbm>> -> memref<128xi32, #tpu.memory_space<hbm>>
        tpu.enqueue_dma source(%dma_start3A_195 : memref<128xi32, #tpu.memory_space<hbm>>) target(%arg10 : memref<128xi32, #tpu.memory_space<vmem>>) target_semaphore(%arg24 : memref<!tpu.dma_semaphore, #tpu.memory_space<semaphore_mem>>)
      } else {
      }
      %mul3A_137 = arith.constant 128 : i32
      %mul3A_138 = arith.muli %add3A_126, %mul3A_137 : i32
      %add3A_139 = arith.addi %mul3A_2, %mul3A_138 : i32
      %dma_wait3A_140 = tpu.memref_slice %arg4[%add3A_139] : memref<320000xi32, #tpu.memory_space<hbm>> -> memref<128xi32, #tpu.memory_space<hbm>>
      %dma_wait3A_141 = tpu.memref_slice %arg4[%add3A_139] : memref<320000xi32, #tpu.memory_space<hbm>> -> memref<128xi32, #tpu.memory_space<hbm>>
      tpu.wait_dma2 semaphore(%arg27 : memref<!tpu.dma_semaphore, #tpu.memory_space<semaphore_mem>>) src(%dma_wait3A_141 : memref<128xi32, #tpu.memory_space<hbm>>) dst(%arg13 : memref<128xi32, #tpu.memory_space<vmem>>)
      %dma_start3A_142 = arith.constant 0 : i32
      %dma_start3A_143 = arith.constant 0 : i32
      %dma_start3A_144 = tpu.memref_slice %arg16[%dma_start3A_142, %dma_start3A_143] : memref<10112x128xf32, #tpu.memory_space<vmem_shared>> -> memref<10112x128xf32, #tpu.memory_space<vmem_shared>>
      tpu.enqueue_indirect_dma source(%arg7 : memref<128x128xf32, #tpu.memory_space<vmem>>) target(%dma_start3A_144 : memref<10112x128xf32, #tpu.memory_space<vmem_shared>>) offsets(%arg13 : memref<128xi32, #tpu.memory_space<vmem>>) semaphore(%arg21 : memref<!tpu.dma_semaphore, #tpu.memory_space<semaphore_mem>>) {add = true}
      %ge3A_145 = arith.constant 1 : i32
      %ge3A_146 = arith.cmpi sge, %add3A_126, %ge3A_145 : i32
      %convert_element_type3A_147 = arith.extui %ge3A_146 : i1 to i32
      %cond3A_148 = arith.constant 0 : i32
      %cond3A_149 = arith.cmpi ne, %convert_element_type3A_147, %cond3A_148 : i32
      scf.if %cond3A_149 {
        %dma_wait3A_189 = arith.constant 0 : i32
        %dma_wait3A_190 = arith.constant 0 : i32
        %dma_wait3A_191 = tpu.memref_slice %arg16[%dma_wait3A_189, %dma_wait3A_190] : memref<10112x128xf32, #tpu.memory_space<vmem_shared>> -> memref<10112x128xf32, #tpu.memory_space<vmem_shared>>
        tpu.wait_indirect_dma semaphore(%arg20 : memref<!tpu.dma_semaphore, #tpu.memory_space<semaphore_mem>>) src(%arg6 : memref<128x128xf32, #tpu.memory_space<vmem>>) dst(%dma_wait3A_191 : memref<10112x128xf32, #tpu.memory_space<vmem_shared>>)
      } else {
      }
      %add3A_150 = arith.constant 2 : i32
      %add3A_151 = arith.addi %add3A_126, %add3A_150 : i32
      %lt3A_152 = arith.constant 78 : i32
      %lt3A_153 = arith.cmpi slt, %add3A_151, %lt3A_152 : i32
      %convert_element_type3A_154 = arith.extui %lt3A_153 : i1 to i32
      %cond3A_155 = arith.constant 0 : i32
      %cond3A_156 = arith.cmpi ne, %convert_element_type3A_154, %cond3A_155 : i32
      scf.if %cond3A_156 {
        %add3A_189 = arith.constant 2 : i32
        %add3A_190 = arith.addi %add3A_126, %add3A_189 : i32
        %mul3A_191 = arith.constant 128 : i32
        %mul3A_192 = arith.muli %add3A_190, %mul3A_191 : i32
        %add3A_193 = arith.addi %mul3A_2, %mul3A_192 : i32
        %dma_start3A_194 = tpu.memref_slice %arg4[%add3A_193] : memref<320000xi32, #tpu.memory_space<hbm>> -> memref<128xi32, #tpu.memory_space<hbm>>
        %dma_start3A_195 = tpu.memref_slice %arg4[%add3A_193] : memref<320000xi32, #tpu.memory_space<hbm>> -> memref<128xi32, #tpu.memory_space<hbm>>
        tpu.enqueue_dma source(%dma_start3A_195 : memref<128xi32, #tpu.memory_space<hbm>>) target(%arg12 : memref<128xi32, #tpu.memory_space<vmem>>) target_semaphore(%arg26 : memref<!tpu.dma_semaphore, #tpu.memory_space<semaphore_mem>>)
        %add3A_196 = arith.constant 2 : i32
        %add3A_197 = arith.addi %add3A_126, %add3A_196 : i32
        %mul3A_198 = arith.constant 128 : i32
        %mul3A_199 = arith.muli %add3A_197, %mul3A_198 : i32
        %add3A_200 = arith.addi %mul3A_2, %mul3A_199 : i32
        %dma_wait3A_201 = tpu.memref_slice %arg3[%add3A_200] : memref<320000xi32, #tpu.memory_space<hbm>> -> memref<128xi32, #tpu.memory_space<hbm>>
        %dma_wait3A_202 = tpu.memref_slice %arg3[%add3A_200] : memref<320000xi32, #tpu.memory_space<hbm>> -> memref<128xi32, #tpu.memory_space<hbm>>
        tpu.wait_dma2 semaphore(%arg23 : memref<!tpu.dma_semaphore, #tpu.memory_space<semaphore_mem>>) src(%dma_wait3A_202 : memref<128xi32, #tpu.memory_space<hbm>>) dst(%arg9 : memref<128xi32, #tpu.memory_space<vmem>>)
        %dma_start3A_203 = arith.constant 0 : i32
        %dma_start3A_204 = arith.constant 0 : i32
        %dma_start3A_205 = tpu.memref_slice %arg2[%dma_start3A_203, %dma_start3A_204] : memref<10000x128xf32, #tpu.memory_space<hbm>> -> memref<10000x128xf32, #tpu.memory_space<hbm>>
        tpu.enqueue_indirect_dma source(%dma_start3A_205 : memref<10000x128xf32, #tpu.memory_space<hbm>>) target(%arg6 : memref<128x128xf32, #tpu.memory_space<vmem>>) offsets(%arg9 : memref<128xi32, #tpu.memory_space<vmem>>) semaphore(%arg17 : memref<!tpu.dma_semaphore, #tpu.memory_space<semaphore_mem>>)
      } else {
      }
      %add3A_157 = arith.constant 2 : i32
      %add3A_158 = arith.addi %add3A_96, %add3A_157 : i32
      %dma_wait3A_159 = arith.constant 0 : i32
      %dma_wait3A_160 = arith.constant 0 : i32
      %dma_wait3A_161 = tpu.memref_slice %arg2[%dma_wait3A_159, %dma_wait3A_160] : memref<10000x128xf32, #tpu.memory_space<hbm>> -> memref<10000x128xf32, #tpu.memory_space<hbm>>
      tpu.wait_indirect_dma semaphore(%arg19 : memref<!tpu.dma_semaphore, #tpu.memory_space<semaphore_mem>>) src(%dma_wait3A_161 : memref<10000x128xf32, #tpu.memory_space<hbm>>) dst(%arg8 : memref<128x128xf32, #tpu.memory_space<vmem>>)
      %add3A_162 = arith.constant 3 : i32
      %add3A_163 = arith.addi %add3A_158, %add3A_162 : i32
      %lt3A_164 = arith.constant 78 : i32
      %lt3A_165 = arith.cmpi slt, %add3A_163, %lt3A_164 : i32
      %convert_element_type3A_166 = arith.extui %lt3A_165 : i1 to i32
      %cond3A_167 = arith.constant 0 : i32
      %cond3A_168 = arith.cmpi ne, %convert_element_type3A_166, %cond3A_167 : i32
      scf.if %cond3A_168 {
        %add3A_189 = arith.constant 3 : i32
        %add3A_190 = arith.addi %add3A_158, %add3A_189 : i32
        %mul3A_191 = arith.constant 128 : i32
        %mul3A_192 = arith.muli %add3A_190, %mul3A_191 : i32
        %add3A_193 = arith.addi %mul3A_2, %mul3A_192 : i32
        %dma_start3A_194 = tpu.memref_slice %arg3[%add3A_193] : memref<320000xi32, #tpu.memory_space<hbm>> -> memref<128xi32, #tpu.memory_space<hbm>>
        %dma_start3A_195 = tpu.memref_slice %arg3[%add3A_193] : memref<320000xi32, #tpu.memory_space<hbm>> -> memref<128xi32, #tpu.memory_space<hbm>>
        tpu.enqueue_dma source(%dma_start3A_195 : memref<128xi32, #tpu.memory_space<hbm>>) target(%arg11 : memref<128xi32, #tpu.memory_space<vmem>>) target_semaphore(%arg25 : memref<!tpu.dma_semaphore, #tpu.memory_space<semaphore_mem>>)
      } else {
      }
      %mul3A_169 = arith.constant 128 : i32
      %mul3A_170 = arith.muli %add3A_158, %mul3A_169 : i32
      %add3A_171 = arith.addi %mul3A_2, %mul3A_170 : i32
      %dma_wait3A_172 = tpu.memref_slice %arg4[%add3A_171] : memref<320000xi32, #tpu.memory_space<hbm>> -> memref<128xi32, #tpu.memory_space<hbm>>
      %dma_wait3A_173 = tpu.memref_slice %arg4[%add3A_171] : memref<320000xi32, #tpu.memory_space<hbm>> -> memref<128xi32, #tpu.memory_space<hbm>>
      tpu.wait_dma2 semaphore(%arg28 : memref<!tpu.dma_semaphore, #tpu.memory_space<semaphore_mem>>) src(%dma_wait3A_173 : memref<128xi32, #tpu.memory_space<hbm>>) dst(%arg14 : memref<128xi32, #tpu.memory_space<vmem>>)
      %dma_start3A_174 = arith.constant 0 : i32
      %dma_start3A_175 = arith.constant 0 : i32
      %dma_start3A_176 = tpu.memref_slice %arg16[%dma_start3A_174, %dma_start3A_175] : memref<10112x128xf32, #tpu.memory_space<vmem_shared>> -> memref<10112x128xf32, #tpu.memory_space<vmem_shared>>
      tpu.enqueue_indirect_dma source(%arg8 : memref<128x128xf32, #tpu.memory_space<vmem>>) target(%dma_start3A_176 : memref<10112x128xf32, #tpu.memory_space<vmem_shared>>) offsets(%arg14 : memref<128xi32, #tpu.memory_space<vmem>>) semaphore(%arg22 : memref<!tpu.dma_semaphore, #tpu.memory_space<semaphore_mem>>) {add = true}
      %ge3A_177 = arith.constant 1 : i32
      %ge3A_178 = arith.cmpi sge, %add3A_158, %ge3A_177 : i32
      %convert_element_type3A_179 = arith.extui %ge3A_178 : i1 to i32
      %cond3A_180 = arith.constant 0 : i32
      %cond3A_181 = arith.cmpi ne, %convert_element_type3A_179, %cond3A_180 : i32
      scf.if %cond3A_181 {
        %dma_wait3A_189 = arith.constant 0 : i32
        %dma_wait3A_190 = arith.constant 0 : i32
        %dma_wait3A_191 = tpu.memref_slice %arg16[%dma_wait3A_189, %dma_wait3A_190] : memref<10112x128xf32, #tpu.memory_space<vmem_shared>> -> memref<10112x128xf32, #tpu.memory_space<vmem_shared>>
        tpu.wait_indirect_dma semaphore(%arg21 : memref<!tpu.dma_semaphore, #tpu.memory_space<semaphore_mem>>) src(%arg7 : memref<128x128xf32, #tpu.memory_space<vmem>>) dst(%dma_wait3A_191 : memref<10112x128xf32, #tpu.memory_space<vmem_shared>>)
      } else {
      }
      %add3A_182 = arith.constant 2 : i32
      %add3A_183 = arith.addi %add3A_158, %add3A_182 : i32
      %lt3A_184 = arith.constant 78 : i32
      %lt3A_185 = arith.cmpi slt, %add3A_183, %lt3A_184 : i32
      %convert_element_type3A_186 = arith.extui %lt3A_185 : i1 to i32
      %cond3A_187 = arith.constant 0 : i32
      %cond3A_188 = arith.cmpi ne, %convert_element_type3A_186, %cond3A_187 : i32
      scf.if %cond3A_188 {
        %add3A_189 = arith.constant 2 : i32
        %add3A_190 = arith.addi %add3A_158, %add3A_189 : i32
        %mul3A_191 = arith.constant 128 : i32
        %mul3A_192 = arith.muli %add3A_190, %mul3A_191 : i32
        %add3A_193 = arith.addi %mul3A_2, %mul3A_192 : i32
        %dma_start3A_194 = tpu.memref_slice %arg4[%add3A_193] : memref<320000xi32, #tpu.memory_space<hbm>> -> memref<128xi32, #tpu.memory_space<hbm>>
        %dma_start3A_195 = tpu.memref_slice %arg4[%add3A_193] : memref<320000xi32, #tpu.memory_space<hbm>> -> memref<128xi32, #tpu.memory_space<hbm>>
        tpu.enqueue_dma source(%dma_start3A_195 : memref<128xi32, #tpu.memory_space<hbm>>) target(%arg13 : memref<128xi32, #tpu.memory_space<vmem>>) target_semaphore(%arg27 : memref<!tpu.dma_semaphore, #tpu.memory_space<semaphore_mem>>)
        %add3A_196 = arith.constant 2 : i32
        %add3A_197 = arith.addi %add3A_158, %add3A_196 : i32
        %mul3A_198 = arith.constant 128 : i32
        %mul3A_199 = arith.muli %add3A_197, %mul3A_198 : i32
        %add3A_200 = arith.addi %mul3A_2, %mul3A_199 : i32
        %dma_wait3A_201 = tpu.memref_slice %arg3[%add3A_200] : memref<320000xi32, #tpu.memory_space<hbm>> -> memref<128xi32, #tpu.memory_space<hbm>>
        %dma_wait3A_202 = tpu.memref_slice %arg3[%add3A_200] : memref<320000xi32, #tpu.memory_space<hbm>> -> memref<128xi32, #tpu.memory_space<hbm>>
        tpu.wait_dma2 semaphore(%arg24 : memref<!tpu.dma_semaphore, #tpu.memory_space<semaphore_mem>>) src(%dma_wait3A_202 : memref<128xi32, #tpu.memory_space<hbm>>) dst(%arg10 : memref<128xi32, #tpu.memory_space<vmem>>)
        %dma_start3A_203 = arith.constant 0 : i32
        %dma_start3A_204 = arith.constant 0 : i32
        %dma_start3A_205 = tpu.memref_slice %arg2[%dma_start3A_203, %dma_start3A_204] : memref<10000x128xf32, #tpu.memory_space<hbm>> -> memref<10000x128xf32, #tpu.memory_space<hbm>>
        tpu.enqueue_indirect_dma source(%dma_start3A_205 : memref<10000x128xf32, #tpu.memory_space<hbm>>) target(%arg7 : memref<128x128xf32, #tpu.memory_space<vmem>>) offsets(%arg10 : memref<128xi32, #tpu.memory_space<vmem>>) semaphore(%arg18 : memref<!tpu.dma_semaphore, #tpu.memory_space<semaphore_mem>>)
      } else {
      }
    }
    %scan3A_53 = arith.constant 26 : i32
    %dma_wait3A_54 = arith.constant 0 : i32
    %dma_wait3A_55 = arith.constant 0 : i32
    %dma_wait3A_56 = tpu.memref_slice %arg16[%dma_wait3A_54, %dma_wait3A_55] : memref<10112x128xf32, #tpu.memory_space<vmem_shared>> -> memref<10112x128xf32, #tpu.memory_space<vmem_shared>>
    tpu.wait_indirect_dma semaphore(%arg22 : memref<!tpu.dma_semaphore, #tpu.memory_space<semaphore_mem>>) src(%arg8 : memref<128x128xf32, #tpu.memory_space<vmem>>) dst(%dma_wait3A_56 : memref<10112x128xf32, #tpu.memory_space<vmem_shared>>)
    %add3A_57 = arith.constant 9984 : i32
    %add3A_58 = arith.addi %mul3A_2, %add3A_57 : i32
    %dma_start3A_59 = tpu.memref_slice %arg4[%add3A_58] : memref<320000xi32, #tpu.memory_space<hbm>> -> memref<16xi32, #tpu.memory_space<hbm>>
    %dma_start3A_60 = tpu.memref_slice %arg4[%add3A_58] : memref<320000xi32, #tpu.memory_space<hbm>> -> memref<16xi32, #tpu.memory_space<hbm>>
    tpu.enqueue_dma source(%dma_start3A_60 : memref<16xi32, #tpu.memory_space<hbm>>) target(%arg15 : memref<16xi32, #tpu.memory_space<vmem>>) target_semaphore(%arg26 : memref<!tpu.dma_semaphore, #tpu.memory_space<semaphore_mem>>)
    %dma_start3A_61 = arith.constant 0 : i32
    %dma_start3A_62 = tpu.memref_slice %arg9[%dma_start3A_61] : memref<128xi32, #tpu.memory_space<vmem>> -> memref<16xi32, #tpu.memory_space<vmem>>
    %dma_start3A_63 = tpu.memref_slice %arg3[%add3A_58] : memref<320000xi32, #tpu.memory_space<hbm>> -> memref<16xi32, #tpu.memory_space<hbm>>
    %dma_start3A_64 = arith.constant 0 : i32
    %dma_start3A_65 = tpu.memref_slice %arg9[%dma_start3A_64] : memref<128xi32, #tpu.memory_space<vmem>> -> memref<16xi32, #tpu.memory_space<vmem>>
    %dma_start3A_66 = tpu.memref_slice %arg3[%add3A_58] : memref<320000xi32, #tpu.memory_space<hbm>> -> memref<16xi32, #tpu.memory_space<hbm>>
    tpu.enqueue_dma source(%dma_start3A_66 : memref<16xi32, #tpu.memory_space<hbm>>) target(%dma_start3A_65 : memref<16xi32, #tpu.memory_space<vmem>>) target_semaphore(%arg23 : memref<!tpu.dma_semaphore, #tpu.memory_space<semaphore_mem>>)
    %dma_wait3A_67 = arith.constant 0 : i32
    %dma_wait3A_68 = tpu.memref_slice %arg9[%dma_wait3A_67] : memref<128xi32, #tpu.memory_space<vmem>> -> memref<16xi32, #tpu.memory_space<vmem>>
    %dma_wait3A_69 = tpu.memref_slice %arg3[%add3A_58] : memref<320000xi32, #tpu.memory_space<hbm>> -> memref<16xi32, #tpu.memory_space<hbm>>
    %dma_wait3A_70 = arith.constant 0 : i32
    %dma_wait3A_71 = tpu.memref_slice %arg9[%dma_wait3A_70] : memref<128xi32, #tpu.memory_space<vmem>> -> memref<16xi32, #tpu.memory_space<vmem>>
    %dma_wait3A_72 = tpu.memref_slice %arg3[%add3A_58] : memref<320000xi32, #tpu.memory_space<hbm>> -> memref<16xi32, #tpu.memory_space<hbm>>
    tpu.wait_dma2 semaphore(%arg23 : memref<!tpu.dma_semaphore, #tpu.memory_space<semaphore_mem>>) src(%dma_wait3A_72 : memref<16xi32, #tpu.memory_space<hbm>>) dst(%dma_wait3A_71 : memref<16xi32, #tpu.memory_space<vmem>>)
    %dma_start3A_73 = arith.constant 0 : i32
    %dma_start3A_74 = arith.constant 0 : i32
    %dma_start3A_75 = tpu.memref_slice %arg6[%dma_start3A_73, %dma_start3A_74] : memref<128x128xf32, #tpu.memory_space<vmem>> -> memref<16x128xf32, #tpu.memory_space<vmem>>
    %dma_start3A_76 = arith.constant 0 : i32
    %dma_start3A_77 = tpu.memref_slice %arg9[%dma_start3A_76] : memref<128xi32, #tpu.memory_space<vmem>> -> memref<16xi32, #tpu.memory_space<vmem>>
    %dma_start3A_78 = arith.constant 0 : i32
    %dma_start3A_79 = arith.constant 0 : i32
    %dma_start3A_80 = tpu.memref_slice %arg2[%dma_start3A_78, %dma_start3A_79] : memref<10000x128xf32, #tpu.memory_space<hbm>> -> memref<10000x128xf32, #tpu.memory_space<hbm>>
    tpu.enqueue_indirect_dma source(%dma_start3A_80 : memref<10000x128xf32, #tpu.memory_space<hbm>>) target(%dma_start3A_75 : memref<16x128xf32, #tpu.memory_space<vmem>>) offsets(%dma_start3A_77 : memref<16xi32, #tpu.memory_space<vmem>>) semaphore(%arg17 : memref<!tpu.dma_semaphore, #tpu.memory_space<semaphore_mem>>)
    %dma_wait3A_81 = arith.constant 0 : i32
    %dma_wait3A_82 = arith.constant 0 : i32
    %dma_wait3A_83 = tpu.memref_slice %arg6[%dma_wait3A_81, %dma_wait3A_82] : memref<128x128xf32, #tpu.memory_space<vmem>> -> memref<16x128xf32, #tpu.memory_space<vmem>>
    %dma_wait3A_84 = arith.constant 0 : i32
    %dma_wait3A_85 = tpu.memref_slice %arg9[%dma_wait3A_84] : memref<128xi32, #tpu.memory_space<vmem>> -> memref<16xi32, #tpu.memory_space<vmem>>
    %dma_wait3A_86 = arith.constant 0 : i32
    %dma_wait3A_87 = arith.constant 0 : i32
    %dma_wait3A_88 = tpu.memref_slice %arg2[%dma_wait3A_86, %dma_wait3A_87] : memref<10000x128xf32, #tpu.memory_space<hbm>> -> memref<10000x128xf32, #tpu.memory_space<hbm>>
    tpu.wait_indirect_dma semaphore(%arg17 : memref<!tpu.dma_semaphore, #tpu.memory_space<semaphore_mem>>) src(%dma_wait3A_88 : memref<10000x128xf32, #tpu.memory_space<hbm>>) dst(%dma_wait3A_83 : memref<16x128xf32, #tpu.memory_space<vmem>>)
    %dma_wait3A_89 = tpu.memref_slice %arg4[%add3A_58] : memref<320000xi32, #tpu.memory_space<hbm>> -> memref<16xi32, #tpu.memory_space<hbm>>
    %dma_wait3A_90 = tpu.memref_slice %arg4[%add3A_58] : memref<320000xi32, #tpu.memory_space<hbm>> -> memref<16xi32, #tpu.memory_space<hbm>>
    tpu.wait_dma2 semaphore(%arg26 : memref<!tpu.dma_semaphore, #tpu.memory_space<semaphore_mem>>) src(%dma_wait3A_90 : memref<16xi32, #tpu.memory_space<hbm>>) dst(%arg15 : memref<16xi32, #tpu.memory_space<vmem>>)
    "tpu.region"() ({
      %run_scoped3A = tpu.sem_alloc : memref<!tpu.dma_semaphore, #tpu.memory_space<semaphore_mem>>
      %dma_start3A_92 = arith.constant 0 : i32
      %dma_start3A_93 = arith.constant 0 : i32
      %dma_start3A_94 = tpu.memref_slice %arg6[%dma_start3A_92, %dma_start3A_93] : memref<128x128xf32, #tpu.memory_space<vmem>> -> memref<16x128xf32, #tpu.memory_space<vmem>>
      %dma_start3A_95 = arith.constant 0 : i32
      %dma_start3A_96 = arith.constant 0 : i32
      %dma_start3A_97 = tpu.memref_slice %arg16[%dma_start3A_95, %dma_start3A_96] : memref<10112x128xf32, #tpu.memory_space<vmem_shared>> -> memref<10112x128xf32, #tpu.memory_space<vmem_shared>>
      tpu.enqueue_indirect_dma source(%dma_start3A_94 : memref<16x128xf32, #tpu.memory_space<vmem>>) target(%dma_start3A_97 : memref<10112x128xf32, #tpu.memory_space<vmem_shared>>) offsets(%arg15 : memref<16xi32, #tpu.memory_space<vmem>>) semaphore(%run_scoped3A : memref<!tpu.dma_semaphore, #tpu.memory_space<semaphore_mem>>) {add = true}
      %dma_wait3A_98 = arith.constant 0 : i32
      %dma_wait3A_99 = arith.constant 0 : i32
      %dma_wait3A_100 = tpu.memref_slice %arg6[%dma_wait3A_98, %dma_wait3A_99] : memref<128x128xf32, #tpu.memory_space<vmem>> -> memref<16x128xf32, #tpu.memory_space<vmem>>
      %dma_wait3A_101 = arith.constant 0 : i32
      %dma_wait3A_102 = arith.constant 0 : i32
      %dma_wait3A_103 = tpu.memref_slice %arg16[%dma_wait3A_101, %dma_wait3A_102] : memref<10112x128xf32, #tpu.memory_space<vmem_shared>> -> memref<10112x128xf32, #tpu.memory_space<vmem_shared>>
      tpu.wait_indirect_dma semaphore(%run_scoped3A : memref<!tpu.dma_semaphore, #tpu.memory_space<semaphore_mem>>) src(%dma_wait3A_100 : memref<16x128xf32, #tpu.memory_space<vmem>>) dst(%dma_wait3A_103 : memref<10112x128xf32, #tpu.memory_space<vmem_shared>>)
      tpu.yield
    }) : () -> ()
    %barrier3A_91 = arith.constant 0 : index
    tpu.barrier barrier_id(%barrier3A_91)
    "tpu.region"() ({
      %run_scoped3A = tpu.sem_alloc : memref<!tpu.dma_semaphore, #tpu.memory_space<semaphore_mem>>
      %dma_start3A_92 = arith.constant 0 : i32
      %dma_start3A_93 = tpu.memref_slice %arg5[%arg0, %mul3A_28, %dma_start3A_92] : memref<2x10112x128xf32, #tpu.memory_space<hbm>> -> memref<1x632x128xf32, #tpu.memory_space<hbm>>
      %dma_start3A_94 = tpu.memref_squeeze %dma_start3A_93 : memref<1x632x128xf32, #tpu.memory_space<hbm>> -> memref<632x128xf32, #tpu.memory_space<hbm>>
      %dma_start3A_95 = arith.constant 0 : i32
      %dma_start3A_96 = tpu.memref_slice %arg16[%mul3A_28, %dma_start3A_95] : memref<10112x128xf32, #tpu.memory_space<vmem_shared>> -> memref<632x128xf32, #tpu.memory_space<vmem_shared>>
      tpu.enqueue_dma source(%dma_start3A_96 : memref<632x128xf32, #tpu.memory_space<vmem_shared>>) target(%dma_start3A_94 : memref<632x128xf32, #tpu.memory_space<hbm>>) target_semaphore(%run_scoped3A : memref<!tpu.dma_semaphore, #tpu.memory_space<semaphore_mem>>)
      %dma_wait3A_97 = arith.constant 0 : i32
      %dma_wait3A_98 = tpu.memref_slice %arg5[%arg0, %mul3A_28, %dma_wait3A_97] : memref<2x10112x128xf32, #tpu.memory_space<hbm>> -> memref<1x632x128xf32, #tpu.memory_space<hbm>>
      %dma_wait3A_99 = tpu.memref_squeeze %dma_wait3A_98 : memref<1x632x128xf32, #tpu.memory_space<hbm>> -> memref<632x128xf32, #tpu.memory_space<hbm>>
      %dma_wait3A_100 = arith.constant 0 : i32
      %dma_wait3A_101 = tpu.memref_slice %arg16[%mul3A_28, %dma_wait3A_100] : memref<10112x128xf32, #tpu.memory_space<vmem_shared>> -> memref<632x128xf32, #tpu.memory_space<vmem_shared>>
      tpu.wait_dma2 semaphore(%run_scoped3A : memref<!tpu.dma_semaphore, #tpu.memory_space<semaphore_mem>>) src(%dma_wait3A_101 : memref<632x128xf32, #tpu.memory_space<vmem_shared>>) dst(%dma_wait3A_99 : memref<632x128xf32, #tpu.memory_space<hbm>>)
      tpu.yield
    }) : () -> ()
    return
  }
}

module attributes {stable_mosaic.version = 14 : i64} {
  func.func @body(%arg0: i32, %arg1: memref<2000x128xf32, #tpu.memory_space<vmem>>, %arg2: memref<2x2000x128xf32, #tpu.memory_space<vmem>>, %arg3: memref<2000x128xf32, #tpu.memory_space<vmem>>) attributes {dimension_semantics = [#tpu.dimension_semantics<arbitrary>], iteration_bounds = array<i64: 5>, scalar_prefetch = 0 : i64, scratch_operands = 0 : i64, tpu.core_type = #tpu.core_type<tc>, window_params = [{transform_indices = @transform_0, window_bounds = array<i64: 2000, 128>}, {transform_indices = @transform_1, window_bounds = array<i64: 2, 2000, 128>}, {transform_indices = @transform_2, window_bounds = array<i64: 2000, 128>}]} {
    %get3A = arith.constant 0 : index
    %get3A_0 = arith.constant 0 : index
    %get3A_1 = vector.load %arg1[%get3A, %get3A_0] : memref<2000x128xf32, #tpu.memory_space<vmem>>, vector<2000x128xf32>
    %get3A_2 = arith.constant 0 : index
    %get3A_3 = arith.constant 0 : index
    %get3A_4 = arith.constant 0 : index
    %get3A_5 = vector.load %arg2[%get3A_2, %get3A_3, %get3A_4] : memref<2x2000x128xf32, #tpu.memory_space<vmem>>, vector<1x2000x128xf32>
    %get3A_6 = vector.shape_cast %get3A_5 : vector<1x2000x128xf32> to vector<2000x128xf32>
    %add3A = arith.addf %get3A_1, %get3A_6 : vector<2000x128xf32>
    %get3A_7 = arith.constant 1 : index
    %get3A_8 = arith.constant 0 : index
    %get3A_9 = arith.constant 0 : index
    %get3A_10 = vector.load %arg2[%get3A_7, %get3A_8, %get3A_9] : memref<2x2000x128xf32, #tpu.memory_space<vmem>>, vector<1x2000x128xf32>
    %get3A_11 = vector.shape_cast %get3A_10 : vector<1x2000x128xf32> to vector<2000x128xf32>
    %add3A_12 = arith.addf %add3A, %get3A_11 : vector<2000x128xf32>
    %swap3A = arith.constant 0 : index
    %swap3A_13 = arith.constant 0 : index
    %swap3A_14 = vector.load %arg3[%swap3A, %swap3A_13] : memref<2000x128xf32, #tpu.memory_space<vmem>>, vector<2000x128xf32>
    tpu.vector_store %arg3[%swap3A, %swap3A_13], %add3A_12 {strides = array<i32>} : memref<2000x128xf32, #tpu.memory_space<vmem>>, vector<2000x128xf32>,
    return
  }
  func.func @transform_0(%arg0: i32) -> (i32, i32) {
    %c0_i32 = arith.constant 0 : i32
    %c0_i32_0 = arith.constant 0 : i32
    return %arg0, %c0_i32 : i32, i32
  }
  func.func @transform_1(%arg0: i32) -> (i32, i32, i32) {
    %c0_i32 = arith.constant 0 : i32
    %c0_i32_0 = arith.constant 0 : i32
    %c0_i32_1 = arith.constant 0 : i32
    return %c0_i32, %arg0, %c0_i32_0 : i32, i32, i32
  }
  func.func @transform_2(%arg0: i32) -> (i32, i32) {
    %c0_i32 = arith.constant 0 : i32
    %c0_i32_0 = arith.constant 0 : i32
    return %arg0, %c0_i32 : i32, i32
  }
}

</mosaic_0001>

<sc_bundles>
// kernel: kernel.4.cloned.1.call-start
scs
__scs_entry_jumppad:
0x0: {  	(pc) =	sbr.rel $0x88, $3  }
0x1: {  	(tag) =	ssettag $0x0;
	lr =	simm.s32 $0x1  }
0x2: {  	[smem:$0x3F9F] =	sst lr;
	_ =	strace $0xD0000000  }
0x3: {  	_ = 	snop  }
0x4: {  	_ = 	snop  }
0x5: {  	_ = 	snop  }
0x6: {  	_ = 	snop  }
0x7: {  	_ = 	snop  }
__scs_overlays_trampoline_lowered:
0x8: {  	[smem:$0x3FAE] =	sst s0  }
0x9: {  	[smem:$0x3FAF] =	sst s1  }
0xa: {  	[smem:$0x3FB0] =	sst s2  }
0xb: {  	[smem:$0x3FB1] =	sst s3  }
0xc: {  	[smem:$0x3FB2] =	sst s4  }
0xd: {  	[smem:$0x3FB3] =	sst s5  }
0xe: {  	[smem:$0x3FB4] =	sst s6  }
0xf: {  	[smem:$0x3FB5] =	sst s7  }
0x10: {  	[smem:$0x3FB6] =	sst s8  }
0x11: {  	[smem:$0x3FB7] =	sst s9;
	s0 =	simm.s32 @!p0 $0x0  }
0x12: {  	s1 =	sld [smem:$0x3F9D];
	s0 =	simm.s32 @p0 $0x1  }
0x13: {  	[smem:$0x3FB8] =	sst s0;
	s0 =	simm.s32 @!p1 $0x0  }
0x14: {  	s2 =	sld [smem:$0x3F9C];
	s0 =	simm.s32 @p1 $0x1  }
0x15: {  	[smem:$0x3FB9] =	sst s0;
	s0 =	simm.s32 @!p2 $0x0  }
0x16: {  	s3 =	sld [smem:$0x3FDB];
	s0 =	simm.s32 @p2 $0x1  }
0x17: {  	s4 =	simm.s32 $0x1BF5;
	[smem:$0x3FBB] =	sst s0  }
0x18: {  	s0 =	sld [smem:$0x3F9E];
	_ =	swait.ge [sflag:s4], $0x0  }
0x19: {  	s7 =	sld [smem:$0x3F9F]  }
0x1a: {  	s8 =	sadd.s32 $0xFFFFE003, lr  }
0x1b: {  	s9 =	sadd.s32 $0xFFFFFEF7, lr;
	s5 =	simm.s32 $0xFFFFFFFF;
	p2 =	slt.u32 s8, $0xFFFFF086  }
0x1c: {  	p1 =	slt.u32 s9, $0xF7A;
	s5 =	simm.s32 @!p2 $0x0  }
0x1d: {  	s5 =	simm.s32 @p1 $0x1;
	p0 =	seq.s32 s7, s2  }
0x1e: {  	s7 =	smul.u32 @!p0 $0xF7A, s2;
	p2 =	seq.s32 @!p0 s5, $0x0  }
0x1f: {  	s9 =	smul.u32 $0xF7A, s1;
	s8 =	simm.s32 @!p0 $0x1BF5;
	p2 =	por !p2, p0  }
0x20: {  	[sflag:s8] =	ssyncset.s32 @!p0 $0xFFFFF086;
	s6 =	sadd.s32 @!p0 s3, s7;
	s7 =	simm.s32 @!p0 $0x108  }
0x21: {  	s3 =	sadd.s32 s3, s9;
	s6 =	sadd.s32 @!p0 $0x88, s6;
	s7 =	simm.s32 @p2 $0x1082  }
0x22: {  	[simem:s7], [sflag:s8] =	dma.local @!p0 [hbm:s6], $0xF7A  }
0x23: {  	s9 =	sor.u32 $0xD0000000, s2;
	s6 =	simm.s32 $0x108;
	_ =	swait.ge @!p0 [sflag:s8], $0x0  }
0x24: {  	s3 =	sadd.s32 $0x88, s3;
	s6 =	simm.s32 @!p1 $0x1082;
	[sflag:s4] =	ssyncset.s32 $0xFFFFF086  }
0x25: {  	[simem:s6], [sflag:s4] =	dma.local [hbm:s3], $0xF7A  }
0x26: {  	[smem:$0x3F9F] =	sst s1;
	(tag) =	ssettag s2;
	_ =	strace s9  }
0x27: {  	s1 =	sld [smem:$0x3FAF]  }
0x28: {  	s2 =	sld [smem:$0x3FB0]  }
0x29: {  	s4 =	sld [smem:$0x3FB2]  }
0x2a: {  	p0 =	seq.s32 s5, $0x0;
	s5 =	sld [smem:$0x3FB3]  }
0x2b: {  	s6 =	sld [smem:$0x3FB4]  }
0x2c: {  	s7 =	sld [smem:$0x3FB5]  }
0x2d: {  	s3 =	simm.s32 $0x108;
	s8 =	sld [smem:$0x3FB6]  }
0x2e: {  	s3 =	simm.s32 @!p0 $0x1082;
	s9 =	sld [smem:$0x3FB7]  }
0x2f: {  	lr =	sadd.s32 s0, s3;
	s0 =	sld [smem:$0x3FAE]  }
0x30: {  	s3 =	sld [smem:$0x3FB1]  }
0x31: {  	[smem:$0x3FBA] =	sst s10  }
0x32: {  	s10 =	sld [smem:$0x3FB8];
	_ =	sdelay $0x3  }
0x33: {  	p0 =	seq.s32 s10, $0x1;
	s10 =	sld [smem:$0x3FBA];
	_ =	sdelay $0x3  }
0x34: {  	[smem:$0x3FBA] =	sst s10  }
0x35: {  	s10 =	sld [smem:$0x3FB9];
	_ =	sdelay $0x3  }
0x36: {  	p1 =	seq.s32 s10, $0x1;
	s10 =	sld [smem:$0x3FBA];
	_ =	sdelay $0x3  }
0x37: {  	[smem:$0x3FBA] =	sst s10  }
0x38: {  	s10 =	sld [smem:$0x3FBB]  }
0x39: {  	_ = 	snop;
	(pc) =	sbr.ind lr, $3  }
0x3a: {  	_ = 	snop  }
0x3b: {  	_ = 	snop  }
0x3c: {  	p2 =	seq.s32 s10, $0x1;
	s10 =	sld [smem:$0x3FBA]  }
0x3d: {  	_ =	shalt  }
0x3e: {  	_ =	shalt  }
0x3f: {  	_ =	shalt  }
0x40: {  	_ =	shalt  }
0x41: {  	_ =	shalt  }
0x42: {  	_ =	shalt  }
0x43: {  	_ =	shalt  }
0x44: {  	_ =	shalt  }
0x45: {  	_ =	shalt  }
0x46: {  	_ =	shalt  }
0x47: {  	_ =	shalt  }
0x48: {  	_ =	shalt  }
0x49: {  	_ =	shalt  }
0x4a: {  	_ =	shalt  }
0x4b: {  	_ =	shalt  }
0x4c: {  	_ =	shalt  }
0x4d: {  	_ =	shalt  }
0x4e: {  	_ =	shalt  }
0x4f: {  	_ =	shalt  }
0x50: {  	_ =	shalt  }
0x51: {  	_ =	shalt  }
0x52: {  	_ =	shalt  }
0x53: {  	_ =	shalt  }
0x54: {  	_ =	shalt  }
0x55: {  	_ =	shalt  }
0x56: {  	_ =	shalt  }
0x57: {  	_ =	shalt  }
0x58: {  	_ =	shalt  }
0x59: {  	_ =	shalt  }
0x5a: {  	_ =	shalt  }
0x5b: {  	_ =	shalt  }
0x5c: {  	_ =	shalt  }
0x5d: {  	_ =	shalt  }
0x5e: {  	_ =	shalt  }
0x5f: {  	_ =	shalt  }
0x60: {  	_ =	shalt  }
0x61: {  	_ =	shalt  }
0x62: {  	_ =	shalt  }
0x63: {  	_ =	shalt  }
0x64: {  	_ =	shalt  }
0x65: {  	_ =	shalt  }
0x66: {  	_ =	shalt  }
0x67: {  	_ =	shalt  }
0x68: {  	_ =	shalt  }
0x69: {  	_ =	shalt  }
0x6a: {  	_ =	shalt  }
0x6b: {  	_ =	shalt  }
0x6c: {  	_ =	shalt  }
0x6d: {  	_ =	shalt  }
0x6e: {  	_ =	shalt  }
0x6f: {  	_ =	shalt  }
0x70: {  	_ =	shalt  }
0x71: {  	_ =	shalt  }
0x72: {  	_ =	shalt  }
0x73: {  	_ =	shalt  }
0x74: {  	_ =	shalt  }
0x75: {  	_ =	shalt  }
0x76: {  	_ =	shalt  }
0x77: {  	_ =	shalt  }
0x78: {  	_ =	shalt  }
0x79: {  	_ =	shalt  }
0x7a: {  	_ =	shalt  }
0x7b: {  	_ =	shalt  }
0x7c: {  	_ =	shalt  }
0x7d: {  	_ =	shalt  }
0x7e: {  	_ =	shalt  }
0x7f: {  	_ =	shalt  }
0x80: {  	_ =	shalt  }
0x81: {  	_ =	shalt  }
0x82: {  	_ =	shalt  }
0x83: {  	_ =	shalt  }
0x84: {  	_ =	shalt  }
0x85: {  	_ =	shalt  }
0x86: {  	_ =	shalt  }
0x87: {  	_ =	shalt  }
.Lfunc_end0:
.L_simem_size_0:
called_computation_lowered:
.L_overlay_start_0:
0x88: {  	s2 =	sld [smem:$0x3FD9]  }
0x89: {  	s3 =	sld [smem:$0x3FFE];
	_ =	sdelay $0x1  }
0x8a: {  	s1 =	srdreg.scid  }
0x8b: {  	s0 =	sand.u32 $0x1, s1  }
0x8c: {  	s17 =	sshll.u32 s0, $0xA;
	s2 =	sadd.s32 s3, s2  }
0x8d: {  	s2 =	sadd.s32 s2, s17  }
0x8e: {  	[smem:$0x3FC6] =	sst s2  }
0x8f: {  	_ = 	snop  }
0x90: {  	s2 =	sld [smem:$0x3FC9]  }
0x91: {  	s18 =	sld [smem:$0x3FD0];
	(tm) =	ssettm $0x1  }
0x92: {  	s4 =	sld [smem:$0x3FFB];
	_ =	sdelay $0x3  }
0x93: {  	_ =	strace s4  }
0x94: {  	s4 =	sld [smem:$0x3FFC];
	_ =	sdelay $0x3  }
0x95: {  	_ =	strace s4  }
0x96: {  	s4 =	sld [smem:$0x3FFD];
	_ =	sdelay $0x3  }
0x97: {  	_ =	strace s4  }
0x98: {  	_ =	strace $0x8FFFFFFF  }
0x99: {  	s19 =	sld [smem:$0x3FDB];
	_ =	sdelay $0x1  }
0x9a: {  	s5 =	simm.s32 $_scs_section_size  }
0x9b: {  	s6 =	simm.s32 $_size__tile_overlayer_lowered;
	s7 =	simm.s32 $_tile_overlayer_lowered  }
0x9c: {  	s22 =	simm.s32 $0x1BFF;
	s21 =	sshll.u32 s7, $0x1;
	s4 =	sadd.s32 s5, s19  }
0x9d: {  	s8 =	simm.s32 $0x0;
	s20 =	sshll.u32 s6, $0x1;
	s6 =	sadd.s32 s21, s4  }
0x9e: {  	[timem:s8], [sflag:s22] =	dma.local [hbm:s6], s20  }
0x9f: {  	_ =	swait.ge [sflag:s22], s20  }
0xa0: {  	s5 =	ssub.s32 $0x0, s20;
	[sflag:s22] =	ssyncset.done $0x0  }
0xa1: {  	[sflag:s22] =	ssyncadd.s32 s5;
	_ =	sdelay $0x1  }
0xa2: {  	s23 =	simm.s32 $0x1B8B  }
0xa3: {  	_ =	swait.ge [sflag:s23], $0x1  }
0xa4: {  	[sflag:s23] =	ssyncset.done $0x0  }
0xa5: {  	s25 =	simm.s32 $0x1B8E;
	s24 =	sld [smem:$0x3FFE];
	[sflag:s23] =	ssyncadd.s32 $0xFFFFFFFF  }
0xa6: {  	s26 =	simm.s32 $execute0_lowered;
	[smem:$0x3FD2] =	sst s25  }
0xa7: {  	s6 =	sshll.u32 s26, $0x1;
	_ =	strace $0x80000046;
	[dreg:$0x1] =	wrdreg $0xFFFFFFFF  }
0xa8: {  	s28 =	simm.s32 $_size_execute0_lowered;
	s4 =	sadd.s32 s4, s6;
	[dreg:$0x0] =	wrdreg $0x0  }
0xa9: {  	s6 =	sshll.u32 s28, $0x1;
	[dreg:$0x2] =	wrdreg s4  }
0xaa: {  	[dreg:$0x3] =	wrdreg s6  }
0xab: {  	[dreg:$0x4] =	wrdreg $0xC0  }
0xac: {  	_ =	task [dreg:s8], $0x5FFFF  }
0xad: {  	[dreg:$0x1] =	wrdreg $0xFFFFFFFF  }
0xae: {  	[dreg:$0x0] =	wrdreg $0x60  }
0xaf: {  	[dreg:$0x2] =	wrdreg s2  }
0xb0: {  	[dreg:$0x3] =	wrdreg s24  }
0xb1: {  	[dreg:$0x4] =	wrdreg s18  }
0xb2: {  	[dreg:$0x5] =	wrdreg $0xC3800  }
0xb3: {  	[dreg:$0x6] =	wrdreg $0x9  }
0xb4: {  	_ =	task.clear_ibuf [dreg:s8], $0x7FFFF;
	_ =	strace $0x90000046  }
0xb5: {  	s29 =	simm.s32 $0x9;
	_ =	strace $0x80000048  }
0xb6: {  	_ =	swait.ge [sflag:s29], $0x1  }
0xb7: {  	[sflag:s29] =	ssyncadd.s32 $0xFFFFFFFF  }
0xb8: {  	_ =	strace $0x90000048  }
0xb9: {  	_ =	sfence  }
0xba: {  	s30 =	sld [smem:$0x0];
	_ =	sdelay $0x2  }
0xbb: {  	s31 =	sshll.u32 s1, $0xD;
	s1 =	sshrl.u32 s1, $0x2  }
0xbc: {  	s3 =	sand.u32 $0x4000, s31;
	s1 =	sadd.s32 s1, s30  }
0xbd: {  	s0 =	sor.u32 s3, s0;
	s1 =	sshll.u32 s1, $0x11  }
0xbe: {  	s0 =	sor.u32 s1, s0  }
0xbf: {  	s0 =	sadd.s32 $0x8F2B, s0  }
0xc0: {  	[sflag:s0] =	ssyncadd.remote.s32 $0x1  }
0xc1: {  	_ =	sfence.sel $0xFFFF  }
0xc2: {  	[dreg:$0x0] =	wrdreg $0xFFFFFFFF;
	(pc) =	sbr.abs _section_cstart, $3  }
0xc3: {  	[dreg:$0x1] =	wrdreg $0xFFFFFFFF  }
0xc4: {  	_ =	task.clear_ibuf [dreg:s8], $0x2FFFF;
	_ =	strace $0x9FFFFFFF  }
0xc5: {  	(tm) =	ssettm $0x7FFFFFFF  }
tec
execute0_lowered:
.L_overlay_start_1:
0x0: {  	(tag) =	ssettag $0x1  }
0x1: {  	s1 =	rddreg [dreg:$0x0]  }
0x2: {  	s0 =	rddreg [dreg:$0x1]  }
0x3: {  	s2 =	rddreg [dreg:$0x2]  }
0x4: {  	s3 =	rddreg [dreg:$0x3];
	s4 =	srdreg.scid  }
0x5: {  	s5 =	simm.s32 $0x0;
	s11 =	stileid.u32;
	s28 =	simm.s32 $0xC080  }
0x6: {  	s29 =	simm.s32 $0xC100;
	s30 =	simm.s32 $0xC180;
	s7 =	smul.u32 $0x13C00, s11  }
0x7: {  	s31 =	simm.s32 $0xC200;
	s4 =	sand.u32 $0x1, s4;
	s15 =	smul.u32 $0x4F000, s11  }
0x8: {  	[smem:$0x7FF] =	sst s5;
	s6 =	smul.u32 $0x13C000, s4;
	s8 =	sshll.u32 s4, $0x4  }
0x9: {  	_ =	strace $0x80000047;
	s9 =	ssub.s32 $0x2, s4;
	s4 =	smul.u32 $0x27100, s4  }
0xa: {  	s8 =	sor.u32 s11, s8;
	s10 =	sshrl.u32 s9, $0x1;
	s11 =	smul.u32 $0x2710, s11  }
0xb: {  	s7 =	sadd.s32 s7, s6;
	s8 =	smul.u32 $0x2710, s8;
	s6 =	sadd.s32 $0x600, s0  }
0xc: {  	s26 =	ssub.s32 s9, s10;
	s10 =	sshrl.u32 s15, $0x2;
	s15 =	simm.s32 $0x9  }
0xd: {  	s7 =	sshrl.u32 s7, $0x3;
	s20 =	sadd.s32 s10, s3;
	s4 =	sadd.s32 s11, s4  }
0xe: {  	s10 =	simm.s32 $0x8;
	s11 =	simm.s32 $0x1;
	s0 =	sadd.s32 s7, s0  }
0xf: {  	s8 =	sshrl.u32 s8, $0x3;
	s17 =	sadd.s32 $0x10000, s20;
	s19 =	sadd.s32 $0x200, s4  }
0x10: {  	s7 =	smax.u32 s26, $0x1;
	s21 =	sadd.s32 $0x4000, s20;
	[dreg:$0xa] =	wrdreg s20  }
0x11: {  	s22 =	sadd.s32 $0x8000, s20;
	s23 =	sadd.s32 $0xC000, s20;
	[dreg:$0xb] =	wrdreg s17  }
0x12: {  	s24 =	sadd.s32 $0x280, s4;
	s25 =	sadd.s32 $0x100, s4;
	[dreg:$0xf] =	wrdreg s7  }
0x13: {  	s4 =	sadd.s32 $0x180, s4;
	s12 =	sadd.s32 s6, s8;
	[dreg:$0x10] =	wrdreg s21  }
0x14: {  	s14 =	sadd.s32 $0x10, s8;
	s16 =	sadd.s32 s2, s8;
	[dreg:$0x11] =	wrdreg s22  }
0x15: {  	s8 =	sadd.s32 $0x4E0, s8;
	s0 =	sadd.s32 $0xA400, s0;
	[dreg:$0x12] =	wrdreg s23  }
0x16: {  	[dreg:$0x13] =	wrdreg s4;
	s26 =	sshrl.u32 s25, $0x3;
	s23 =	simm.s32 $0xD  }
0x17: {  	s7 =	simm.s32 $0x4000;
	s17 =	simm.s32 $0xC;
	[dreg:$0x5] =	wrdreg s12  }
0x18: {  	s4 =	simm.s32 $0x0;
	s13 =	sadd.s32 s6, s14;
	[dreg:$0x8] =	wrdreg s16  }
0x19: {  	s12 =	sadd.s32 $0x20, s12;
	s9 =	sadd.s32 s2, s14;
	[dreg:$0xe] =	wrdreg s0  }
0x1a: {  	s18 =	sadd.s32 s2, s8;
	s8 =	sadd.s32 s6, s8;
	[dreg:$0x6] =	wrdreg s13  }
0x1b: {  	s0 =	sshrl.u32 s19, $0x3;
	s25 =	sadd.s32 s26, s2;
	[dreg:$0x7] =	wrdreg s12  }
.Ltmp0:
0x1c: {  	s26 =	simm.s32 $0xC000;
	[dreg:$0x9] =	wrdreg s9;
	(pc) =	sbr.rel .LBB2_1-.Ltmp0, $4  }
0x1d: {  	s14 =	simm.s32 $0xC280;
	s16 =	simm.s32 $0x2;
	[dreg:$0xc] =	wrdreg s18  }
0x1e: {  	[dreg:$0xd] =	wrdreg s8;
	s21 =	sadd.s32 s0, s2;
	s22 =	sadd.s32 s0, s6  }
0x1f: {  	s0 =	sshrl.u32 s24, $0x3;
	s9 =	simm.s32 $0x80;
	s13 =	simm.s32 $0xA  }
0x20: {  	v0 =	vimm.f32 $0.0e+00;
	s18 =	simm.s32 $0x5;
	s24 =	sadd.s32 s0, s6;
	s0 =	simm.s32 $0x8000  }
.LBB2_6:
0x21: {  	s2 =	simm.s32 $0x6  }
0x22: {  	_ =	swait.ge [sflag:s2], $0x4000  }
0x23: {  	[sflag:s2] =	ssyncset.done $0x0  }
0x24: {  	s4 =	simm.s32 $0xC300;
	s19 =	rddreg [dreg:$0xc];
	[sflag:s2] =	ssyncadd.s32 $0xFFFFC000  }
0x25: {  	[tilespmem:s4], [sflag:$0xA] =	stream.linear.gather [hbm4b:s19+s5], $0x10, $0x38;
	[tilespmem:$0x1FF80] =	vst v63  }
0x26: {  	s26 =	simm.s32 $0xC000;
	s23 =	simm.s32 $0x7;
	s20 =	rddreg [dreg:$0xd]  }
0x27: {  	[tilespmem:s26], [sflag:$0x7] =	stream.linear.gather [hbm4b:s20+s5], $0x10, $0x38;
	[tilespmem:$0x1FF80] =	vst v63  }
0x28: {  	_ =	swait.ge [sflag:s23], $0x10  }
0x29: {  	[sflag:s23] =	ssyncset.done $0x0  }
0x2a: {  	s8 =	simm.s32 $0x10;
	[sflag:s23] =	ssyncadd.s32 $0xFFFFFFF0  }
0x2b: {  	[tilespmem:s5], [sflag:$0x1] =	stream.indirect.gather [hbm4b:s1+s8], $0x80, s26, s8, $0xb8;
	[tilespmem:$0x1FF80] =	vst v63  }
0x2c: {  	_ =	swait.ge [sflag:s11], $0x800  }
0x2d: {  	[sflag:s11] =	ssyncset.done $0x0  }
0x2e: {  	[sflag:s11] =	ssyncadd.s32 $0xFFFFF800  }
0x2f: {  	_ =	swait.ge [sflag:s13], $0x10  }
0x30: {  	[sflag:s13] =	ssyncset.done $0x0  }
0x31: {  	s23 =	simm.s32 $0xD;
	[sflag:s13] =	ssyncadd.s32 $0xFFFFFFF0  }
0x32: {  	[spmem:s3] =	stream.indirect.scatter.add.f32 [tilespmem:s5], [sflag:$0xD], $0x80, s4, s8, $0xb8;
	[tilespmem:$0x1FF80] =	vst v63  }
0x33: {  	_ =	swait.ge [sflag:s23], $0x800  }
0x34: {  	[sflag:s23] =	ssyncset.done $0x0  }
0x35: {  	[sflag:s23] =	ssyncadd.s32 $0xFFFFF800  }
0x36: {  	s12 =	stileid.u32;
	[bflag:$0x0] =	sbarrier.arrive $0xFFFF  }
0x37: {  	s2 =	sshll.u32 s12, $0x6;
	s20 =	rddreg [dreg:$0xa]  }
0x38: {  	s2 =	sor.u32 $0x1C0D, s2;
	s8 =	rddreg [dreg:$0xe];
	s19 =	sshrl.u32 s20, $0x3  }
0x39: {  	[hbm:s8], [sflag:s2] =	dma.local [spmem:s19], $0x2780  }
0x3a: {  	_ =	swait.ge [sflag:s23], $0x2780  }
0x3b: {  	s12 =	rddreg [dreg:$0x14]  }
0x3c: {  	s19 =	rddreg [dreg:$0xf];
	s4 =	sadd.s32 $0x1, s12  }
0x3d: {  	p0 =	sne.s32 s4, s19  }
.Ltmp1:
0x3e: {  	_ = 	snop;
	(pc) =	sbr.rel @!p0 .LBB2_7-.Ltmp1, $3  }
0x3f: {  	_ =	sdelay $0x1  }
0x40: {  	[sflag:s23] =	ssyncset.done $0x0  }
0x41: {  	[sflag:s23] =	ssyncadd.s32 $0xFFFFD880  }
.LBB2_1:
0x42: {  	[dreg:$0x14] =	wrdreg s4  }
0x43: {  	s2 =	rddreg [dreg:$0x5]  }
0x44: {  	[tilespmem:s26], [sflag:$0x7] =	stream.linear.gather [hbm4b:s2+s5], $0x80, $0x38;
	[tilespmem:$0x1FF80] =	vst v63  }
0x45: {  	s4 =	rddreg [dreg:$0x6]  }
0x46: {  	[tilespmem:s28], [sflag:$0x8] =	stream.linear.gather [hbm4b:s4+s5], $0x80, $0x38;
	[tilespmem:$0x1FF80] =	vst v63  }
0x47: {  	s8 =	rddreg [dreg:$0x7]  }
0x48: {  	[tilespmem:s29], [sflag:$0x9] =	stream.linear.gather [hbm4b:s8+s5], $0x80, $0x38;
	[tilespmem:$0x1FF80] =	vst v63  }
0x49: {  	s12 =	rddreg [dreg:$0x8]  }
0x4a: {  	[tilespmem:s30], [sflag:$0xA] =	stream.linear.gather [hbm4b:s12+s5], $0x80, $0x38;
	[tilespmem:$0x1FF80] =	vst v63  }
0x4b: {  	s19 =	rddreg [dreg:$0x9]  }
0x4c: {  	[tilespmem:s31], [sflag:$0xB] =	stream.linear.gather [hbm4b:s19+s5], $0x80, $0x38;
	[tilespmem:$0x1FF80] =	vst v63  }
0x4d: {  	s12 =	simm.s32 $0x0;
	s19 =	simm.s32 $0x200  }
.LBB2_2:
0x4e: {  	p0 =	sne.s32 s19, $0xFE00;
	[tilespmem:s12+$0x8070] =	vst v0  }
0x4f: {  	[tilespmem:s12+$0x8000] =	vst v0  }
0x50: {  	[tilespmem:s12+$0x8010] =	vst v0  }
.Ltmp2:
0x51: {  	[tilespmem:s12+$0x8020] =	vst v0;
	(pc) =	sbr.rel @p0 .LBB2_2-.Ltmp2, $4  }
0x52: {  	[tilespmem:s12+$0x8030] =	vst v0  }
0x53: {  	[tilespmem:s12+$0x8040] =	vst v0  }
0x54: {  	[tilespmem:s12+$0x8050] =	vst v0  }
0x55: {  	[tilespmem:s12+$0x8060] =	vst v0;
	s12 =	sshra.s32 s19, $0x2;
	s19 =	sadd.s32 $0x200, s19  }
0x56: {  	[tilespmem:s12+$0x8070] =	vst v0  }
0x57: {  	[tilespmem:s12+$0x8000] =	vst v0  }
0x58: {  	[tilespmem:s12+$0x8010] =	vst v0  }
0x59: {  	[tilespmem:s12+$0x8020] =	vst v0  }
0x5a: {  	[tilespmem:s12+$0x8030] =	vst v0  }
0x5b: {  	[tilespmem:s12+$0x8040] =	vst v0  }
0x5c: {  	[tilespmem:s12+$0x8050] =	vst v0  }
0x5d: {  	[tilespmem:s12+$0x8060] =	vst v0  }
0x5e: {  	[spmem:s20] =	stream.linear.scatter [tilespmem:s0], [sflag:$0xD], $0x4000, $0x38;
	[tilespmem:$0x1FF80] =	vst v63  }
0x5f: {  	_ =	swait.ge [sflag:s23], $0x4000  }
0x60: {  	[sflag:s23] =	ssyncset.done $0x0  }
0x61: {  	s2 =	rddreg [dreg:$0x10];
	[sflag:s23] =	ssyncadd.s32 $0xFFFFC000  }
0x62: {  	[spmem:s2] =	stream.linear.scatter [tilespmem:s0], [sflag:$0xD], $0x4000, $0x38;
	[tilespmem:$0x1FF80] =	vst v63  }
0x63: {  	_ =	swait.ge [sflag:s23], $0x4000  }
0x64: {  	[sflag:s23] =	ssyncset.done $0x0  }
0x65: {  	s12 =	rddreg [dreg:$0x11];
	[sflag:s23] =	ssyncadd.s32 $0xFFFFC000  }
0x66: {  	[spmem:s12] =	stream.linear.scatter [tilespmem:s0], [sflag:$0xD], $0x4000, $0x38;
	[tilespmem:$0x1FF80] =	vst v63  }
0x67: {  	_ =	swait.ge [sflag:s23], $0x4000  }
0x68: {  	[sflag:s23] =	ssyncset.done $0x0  }
0x69: {  	s19 =	rddreg [dreg:$0x12];
	[sflag:s23] =	ssyncadd.s32 $0xFFFFC000  }
0x6a: {  	[spmem:s19] =	stream.linear.scatter [tilespmem:s0], [sflag:$0xD], $0x4000, $0x38;
	[tilespmem:$0x1FF80] =	vst v63  }
0x6b: {  	_ =	swait.ge [sflag:s23], $0x4000  }
0x6c: {  	[sflag:s23] =	ssyncset.done $0x0  }
0x6d: {  	s20 =	rddreg [dreg:$0xb];
	[sflag:s23] =	ssyncadd.s32 $0xFFFFC000  }
0x6e: {  	[spmem:s20] =	stream.linear.scatter [tilespmem:s0], [sflag:$0xD], $0x3C00, $0x38;
	[tilespmem:$0x1FF80] =	vst v63  }
0x6f: {  	_ =	swait.ge [sflag:s23], $0x3C00  }
0x70: {  	[sflag:s23] =	ssyncset.done $0x0  }
0x71: {  	[sflag:s23] =	ssyncadd.s32 $0xFFFFC400;
	s23 =	simm.s32 $0x7  }
0x72: {  	_ =	swait.ge [sflag:s23], $0x80  }
0x73: {  	[sflag:s23] =	ssyncset.done $0x0  }
0x74: {  	[sflag:s23] =	ssyncadd.s32 $0xFFFFFF80;
	s23 =	simm.s32 $0x0  }
0x75: {  	[tilespmem:s23], [sflag:$0x1] =	stream.indirect.gather [hbm4b:s1+s9], $0x80, s26, s9, $0xb8;
	[tilespmem:$0x1FF80] =	vst v63  }
0x76: {  	_ =	swait.ge [sflag:s10], $0x80  }
0x77: {  	[sflag:s10] =	ssyncset.done $0x0  }
0x78: {  	[sflag:s10] =	ssyncadd.s32 $0xFFFFFF80  }
0x79: {  	[tilespmem:s7], [sflag:$0x2] =	stream.indirect.gather [hbm4b:s1+s9], $0x80, s28, s9, $0xb8;
	[tilespmem:$0x1FF80] =	vst v63  }
0x7a: {  	[bflag:$0x0] =	sbarrier.arrive $0xFFFF  }
0x7b: {  	s19 =	rddreg [dreg:$0x13]  }
.LBB2_4:
0x7c: {  	_ =	swait.ge [sflag:s11], $0x4000;
	p0 =	seq.s32 s23, $0x4B0  }
0x7d: {  	[sflag:s11] =	ssyncset.done $0x0;
	s26 =	sshrl.u32 @!p0 s19, $0x3;
	s12 =	simm.s32 @!p0 $0x0  }
0x7e: {  	s20 =	simm.s32 @!p0 $0xC000;
	[sflag:s11] =	ssyncadd.s32 $0xFFFFC000;
	s8 =	sadd.s32 @!p0 s6, s26  }
0x7f: {  	[tilespmem:s20], [sflag:$0x7] =	stream.linear.gather @!p0 [hbm4b:s8+s12], $0x80, $0x38;
	[tilespmem:$0x1FF80] =	vst v63  }
0x80: {  	_ =	swait.ge [sflag:s13], $0x80  }
0x81: {  	p1 =	seq.s32 s23, $0x0;
	[sflag:s13] =	ssyncset.done $0x0  }
0x82: {  	s8 =	simm.s32 @!p1 $0x6;
	[sflag:s13] =	ssyncadd.s32 $0xFFFFFF80  }
0x83: {  	[spmem:s3] =	stream.indirect.scatter.add.f32 [tilespmem:s5], [sflag:$0x4], $0x80, s30, s9, $0xb8;
	[tilespmem:$0x1FF80] =	vst v63  }
0x84: {  	_ =	swait.ge @!p1 [sflag:s8], $0x4000  }
0x85: {  	[sflag:s8] =	ssyncset.done @!p1 $0x0  }
0x86: {  	s4 =	sadd.s32 s23, s25;
	[sflag:s8] =	ssyncadd.s32 @!p1 $0xFFFFC000  }
0x87: {  	[tilespmem:s14], [sflag:$0xC] =	stream.linear.gather [hbm4b:s4+s5], $0x80, $0x38;
	[tilespmem:$0x1FF80] =	vst v63  }
0x88: {  	_ =	swait.ge [sflag:s15], $0x80  }
0x89: {  	[sflag:s15] =	ssyncset.done $0x0  }
0x8a: {  	[sflag:s15] =	ssyncadd.s32 $0xFFFFFF80  }
0x8b: {  	[tilespmem:s0], [sflag:$0x3] =	stream.indirect.gather [hbm4b:s1+s9], $0x80, s29, s9, $0xb8;
	[tilespmem:$0x1FF80] =	vst v63  }
0x8c: {  	_ =	swait.ge [sflag:s16], $0x4000  }
0x8d: {  	[sflag:s16] =	ssyncset.done $0x0  }
0x8e: {  	s8 =	simm.s32 @p0 $0xB;
	[sflag:s16] =	ssyncadd.s32 $0xFFFFC000  }
0x8f: {  	_ =	swait.ge @p0 [sflag:s8], $0x80  }
0x90: {  	s2 =	simm.s32 @p0 $0x4000;
	[sflag:s8] =	ssyncset.done @p0 $0x0  }
0x91: {  	s4 =	simm.s32 @p0 $0xC200;
	[sflag:s8] =	ssyncadd.s32 @p0 $0xFFFFFF80;
	s8 =	simm.s32 @p0 $0x80  }
0x92: {  	[spmem:s3] =	stream.indirect.scatter.add.f32 @p0 [tilespmem:s2], [sflag:$0x5], $0x80, s4, s8, $0xb8;
	[tilespmem:$0x1FF80] =	vst v63  }
0x93: {  	s2 =	simm.s32 @p0 $0x4  }
0x94: {  	_ =	swait.ge @p0 [sflag:s2], $0x4000  }
0x95: {  	[sflag:s2] =	ssyncset.done @p0 $0x0  }
0x96: {  	[sflag:s2] =	ssyncadd.s32 @p0 $0xFFFFC000;
	s2 =	simm.s32 @p0 $0x3  }
0x97: {  	_ =	swait.ge @p0 [sflag:s2], $0x4000  }
0x98: {  	[sflag:s2] =	ssyncset.done @p0 $0x0  }
0x99: {  	s4 =	simm.s32 @!p0 $0xC080;
	[sflag:s2] =	ssyncadd.s32 @p0 $0xFFFFC000;
	s2 =	sadd.s32 @!p0 s23, s22  }
0x9a: {  	[tilespmem:s4], [sflag:$0x8] =	stream.linear.gather @!p0 [hbm4b:s2+s12], $0x80, $0x38;
	[tilespmem:$0x1FF80] =	vst v63  }
0x9b: {  	s2 =	simm.s32 @!p0 $0xB  }
0x9c: {  	_ =	swait.ge @!p0 [sflag:s2], $0x80  }
0x9d: {  	s8 =	simm.s32 @!p0 $0x4000;
	[sflag:s2] =	ssyncset.done @!p0 $0x0  }
0x9e: {  	s4 =	simm.s32 @!p0 $0xC200;
	[sflag:s2] =	ssyncadd.s32 @!p0 $0xFFFFFF80;
	s2 =	simm.s32 @!p0 $0x80  }
0x9f: {  	[spmem:s3] =	stream.indirect.scatter.add.f32 @!p0 [tilespmem:s8], [sflag:$0x5], $0x80, s4, s2, $0xb8;
	[tilespmem:$0x1FF80] =	vst v63  }
0xa0: {  	s4 =	simm.s32 @!p0 $0x4  }
0xa1: {  	_ =	swait.ge @!p0 [sflag:s4], $0x4000  }
0xa2: {  	[sflag:s4] =	ssyncset.done @!p0 $0x0  }
0xa3: {  	[sflag:s4] =	ssyncadd.s32 @!p0 $0xFFFFC000  }
0xa4: {  	s4 =	rddreg [dreg:$0x2]  }
0xa5: {  	s8 =	simm.s32 @!p0 $0xC180;
	s4 =	sadd.s32 @!p0 s4, s26  }
0xa6: {  	[tilespmem:s8], [sflag:$0xA] =	stream.linear.gather @!p0 [hbm4b:s4+s12], $0x80, $0x38;
	[tilespmem:$0x1FF80] =	vst v63  }
0xa7: {  	s4 =	simm.s32 @!p0 $0x7  }
0xa8: {  	_ =	swait.ge @!p0 [sflag:s4], $0x80  }
0xa9: {  	[sflag:s4] =	ssyncset.done @!p0 $0x0  }
0xaa: {  	[sflag:s4] =	ssyncadd.s32 @!p0 $0xFFFFFF80  }
0xab: {  	[tilespmem:s12], [sflag:$0x1] =	stream.indirect.gather @!p0 [hbm4b:s1+s2], $0x80, s20, s2, $0xb8;
	[tilespmem:$0x1FF80] =	vst v63  }
0xac: {  	s2 =	simm.s32 @!p0 $0x3  }
0xad: {  	_ =	swait.ge @!p0 [sflag:s2], $0x4000  }
0xae: {  	[sflag:s2] =	ssyncset.done @!p0 $0x0  }
0xaf: {  	s4 =	simm.s32 @!p0 $0xC100;
	[sflag:s2] =	ssyncadd.s32 @!p0 $0xFFFFC000;
	s2 =	sadd.s32 @!p0 s23, s24  }
0xb0: {  	[tilespmem:s4], [sflag:$0x9] =	stream.linear.gather @!p0 [hbm4b:s2+s12], $0x80, $0x38;
	[tilespmem:$0x1FF80] =	vst v63  }
0xb1: {  	_ =	swait.ge [sflag:s17], $0x80  }
0xb2: {  	[sflag:s17] =	ssyncset.done $0x0  }
.Ltmp3:
0xb3: {  	[sflag:s17] =	ssyncadd.s32 $0xFFFFFF80;
	(pc) =	sbr.rel @p0 .LBB2_6-.Ltmp3, $4  }
0xb4: {  	[spmem:s3] =	stream.indirect.scatter.add.f32 [tilespmem:s0], [sflag:$0x6], $0x80, s14, s9, $0xb8;
	[tilespmem:$0x1FF80] =	vst v63  }
0xb5: {  	_ =	swait.ge [sflag:s18], $0x4000  }
0xb6: {  	[sflag:s18] =	ssyncset.done $0x0  }
0xb7: {  	[sflag:s18] =	ssyncadd.s32 $0xFFFFC000  }
0xb8: {  	s2 =	sadd.s32 s23, s21  }
0xb9: {  	[tilespmem:s31], [sflag:$0xB] =	stream.linear.gather [hbm4b:s2+s5], $0x80, $0x38;
	[tilespmem:$0x1FF80] =	vst v63  }
.Ltmp4:
0xba: {  	_ = 	snop;
	(pc) =	sbr.rel .LBB2_4-.Ltmp4, $4  }
0xbb: {  	_ =	swait.ge [sflag:s10], $0x80  }
0xbc: {  	[sflag:s10] =	ssyncset.done $0x0  }
0xbd: {  	s23 =	sadd.s32 $0x30, s23;
	s19 =	sadd.s32 $0x180, s19;
	[sflag:s10] =	ssyncadd.s32 $0xFFFFFF80  }
0xbe: {  	[tilespmem:s7], [sflag:$0x2] =	stream.indirect.gather [hbm4b:s1+s9], $0x80, s28, s9, $0xb8;
	[tilespmem:$0x1FF80] =	vst v63  }
.LBB2_7:
0xbf: {  	_ =	sfence.sel $0x180000  }
0xc0: {  	[bflag:$0x0] =	sbarrier.arrive $0xFFFF  }
0xc1: {  	_ =	strace $0x90000047  }
0xc2: {  	s0 =	stileid.u32;
	[bflag:$0x2] =	sbarrier.arrive $0xFFFF  }
0xc3: {  	p0 =	sne.s32 s0, $0x0;
	s0 =	rddreg [dreg:$0x4]  }
0xc4: {  	s0 =	sadd.s32 @!p0 $0x100000, s0  }
0xc5: {  	[sflag:s0] =	ssyncadd.tile.s32 @!p0 $0x1;
	_ =	shalt  }
.Lfunc_end2:
_tile_overlayer_lowered:
.L_overlay_start_2:
0xc6: {  	(tag) =	ssettag $0x2  }
0xc7: {  	s0 =	rddreg [dreg:$0x0];
	s2 =	stileid.u32  }
0xc8: {  	s1 =	rddreg [dreg:$0x1];
	p0 =	sne.s32 s2, $0x0  }
0xc9: {  	s3 =	rddreg [dreg:$0x2];
	[bflag:$0x3] =	sbarrier.arrive $0xFFFF;
	s2 =	simm.s32 @!p0 $0x1C0D  }
0xca: {  	[timem:s3], [sflag:s2] =	dma.local @!p0 [hbm:s0], s1  }
0xcb: {  	s0 =	simm.s32 @!p0 $0xD  }
0xcc: {  	_ =	swait.ge @!p0 [sflag:s0], s1  }
0xcd: {  	s1 =	ssub.s32 @!p0 $0x0, s1;
	[sflag:s0] =	ssyncset.done @!p0 $0x0  }
0xce: {  	[sflag:s0] =	ssyncadd.s32 @!p0 s1  }
0xcf: {  	[bflag:$0x3] =	sbarrier.arrive $0xFFFF  }
0xd0: {  	_ =	shalt  }

</sc_bundles>
